<compile_context>
chip_gen: v7x
topology: tpu7x:2x2x1
jax: 0.10.2.dev20260603
libtpu: 0.0.44.dev20260713+nightly
codegen_flags: <defaults>
</compile_context>

<pallas_src>
import functools

import jax
import jax.numpy as jnp
from jax import lax
from jax.experimental import pallas as pl
from jax.experimental.pallas import tpu as pltpu
from jax.experimental.pallas import tpu_sc as plsc

_NC = 2
_NS = 16
_NW = _NC * _NS

_CHUNK = 16
_NB = 4
_LA = 3


def _make_gather(B, V, D):
    b_per_w = B // _NW
    n_chunks = b_per_w // _CHUNK
    assert n_chunks % _NB == 0 and n_chunks >= 2 * _NB
    mesh = plsc.VectorSubcoreMesh(core_axis_name="c", subcore_axis_name="s")

    @functools.partial(
        pl.kernel,
        mesh=mesh,
        out_type=jax.ShapeDtypeStruct((B, D), jnp.float32),
        scratch_types=[
            pltpu.VMEM((b_per_w,), jnp.int32),
        ]
        + [pltpu.VMEM((_CHUNK, D), jnp.float32)] * _NB
        + [pltpu.SemaphoreType.DMA] * (2 * _NB),
    )
    def k(ids_hbm, table_hbm, out_hbm, idx_v, *rest):
        bufs = rest[:_NB]
        gsems = rest[_NB : 2 * _NB]
        wsems = rest[2 * _NB :]

        wid = lax.axis_index("s") * _NC + lax.axis_index("c")
        base = wid * b_per_w
        pltpu.sync_copy(ids_hbm.at[pl.ds(base, b_per_w)], idx_v)

        def gather_cp(g, b):
            return pltpu.make_async_copy(
                table_hbm.at[idx_v.at[pl.ds(g * _CHUNK, _CHUNK)]],
                bufs[b],
                gsems[b],
            )

        def wb_cp(g, b):
            return pltpu.make_async_copy(
                bufs[b],
                out_hbm.at[pl.ds(base + g * _CHUNK, _CHUNK)],
                wsems[b],
            )

        for j in range(_LA):
            gather_cp(j, j).start()

        for h in range(_NB):
            j = h % _NB
            jn = (j + _LA) % _NB
            gather_cp(h, j).wait()
            if h >= 1:
                wb_cp(h - 1, jn).wait()
            gather_cp(h + _LA, jn).start()
            wb_cp(h, j).start()

        def body(h2, carry):
            h0 = h2 * _NB
            for j in range(_NB):
                h = h0 + j
                jn = (j + _LA) % _NB
                gather_cp(h, j).wait()
                wb_cp(h - 1, jn).wait()
                gather_cp(h + _LA, jn).start()
                wb_cp(h, j).start()
            return carry

        lax.fori_loop(1, n_chunks // _NB - 1, body, 0)

        for h in range(n_chunks - _NB, n_chunks):
            j = h % _NB
            jn = (j + _LA) % _NB
            gather_cp(h, j).wait()
            wb_cp(h - 1, jn).wait()
            if h + _LA < n_chunks:
                gather_cp(h + _LA, jn).start()
            wb_cp(h, j).start()
        wb_cp(n_chunks - 1, (n_chunks - 1) % _NB).wait()

    return k


def kernel(input_ids, position_ids, table):
    B = input_ids.shape[0] * input_ids.shape[1]
    V, D = table.shape
    flat_ids = input_ids.reshape(-1)
    out = _make_gather(B, V, D)(flat_ids, table)
    return (out, position_ids)

# --- scband reference (transcript-rebuilt; emitter-appended) ---
"""Pipeline reference for scband-embedding-33423435497502 (READ-ONLY COPY).

The authoritative reference and input builder live on the scoring server;
editing this copy changes nothing except your own understanding.
"""

import jax, jax.numpy as jnp
import numpy as np

VOCAB = 100000
D_MODEL = 1024
PAD_IDX = 0
BATCH = 4
SEQ = 8192

def setup_inputs(seed: int = 0) -> dict:
    key = jax.random.key(seed)
    k1, k2, k3 = jax.random.split(key, 3)
    input_ids = jax.random.randint(k1, (BATCH, SEQ), 0, VOCAB, dtype=jnp.int64 if jax.config.jax_enable_x64 else jnp.int32).astype(jnp.int32)
    position_ids = jax.random.randint(k2, (BATCH, SEQ), 0, SEQ, dtype=jnp.int32)
    table = jax.random.normal(k3, (VOCAB, D_MODEL), dtype=jnp.float32) * 0.02
    # padding_idx row is initialized to zero, matching nn.Embedding(padding_idx=...)
    table = table.at[PAD_IDX].set(0.0)
    return {"input_ids": input_ids, "position_ids": position_ids, "table": table}

def reference(input_ids, position_ids, table):
    # forward: input_ids = input_ids.view(-1); input_embeds = token_embedding(input_ids)
    flat_ids = input_ids.reshape(-1)
    input_embeds = jnp.take(table, flat_ids, axis=0)
    return (input_embeds, position_ids)

if __name__ == "__main__":
    import jax
    _d = setup_inputs()
    print(jax.jit(kernel)(*tuple(_d.values())))

</pallas_src>

<mosaic_0001>
#map = affine_map<(d0, d1) -> (0)>
#map1 = affine_map<(d0, d1) -> (0, 0)>
module attributes {stable_mosaic.version = 14 : i64} {
  func.func @k(%arg0: i32, %arg1: i32, %arg2: memref<32768xi32, #tpu.memory_space<hbm>>, %arg3: memref<100000x1024xf32, #tpu.memory_space<hbm>>, %arg4: memref<32768x1024xf32, #tpu.memory_space<hbm>>, %arg5: memref<1024xi32, #tpu.memory_space<vmem>>, %arg6: memref<16x1024xf32, #tpu.memory_space<vmem>>, %arg7: memref<16x1024xf32, #tpu.memory_space<vmem>>, %arg8: memref<16x1024xf32, #tpu.memory_space<vmem>>, %arg9: memref<16x1024xf32, #tpu.memory_space<vmem>>, %arg10: memref<!tpu.dma_semaphore, #tpu.memory_space<semaphore_mem>>, %arg11: memref<!tpu.dma_semaphore, #tpu.memory_space<semaphore_mem>>, %arg12: memref<!tpu.dma_semaphore, #tpu.memory_space<semaphore_mem>>, %arg13: memref<!tpu.dma_semaphore, #tpu.memory_space<semaphore_mem>>, %arg14: memref<!tpu.dma_semaphore, #tpu.memory_space<semaphore_mem>>, %arg15: memref<!tpu.dma_semaphore, #tpu.memory_space<semaphore_mem>>, %arg16: memref<!tpu.dma_semaphore, #tpu.memory_space<semaphore_mem>>, %arg17: memref<!tpu.dma_semaphore, #tpu.memory_space<semaphore_mem>>) attributes {dimension_semantics = [#tpu.dimension_semantics<core_parallel>, #tpu.dimension_semantics<subcore_parallel>], iteration_bounds = array<i64: 2, 16>, scalar_prefetch = 0 : i64, scratch_operands = 13 : i64, tpu.core_type = #tpu.core_type<sc_vector_subcore>, window_params = [{transform_indices = #map}, {transform_indices = #map1}, {transform_indices = #map1}]} {
    %mul3A = arith.constant 2 : i32
    %mul3A_0 = arith.muli %arg1, %mul3A : i32
    %add3A = arith.addi %mul3A_0, %arg0 : i32
    %mul3A_1 = arith.constant 1024 : i32
    %mul3A_2 = arith.muli %add3A, %mul3A_1 : i32
    "tpu.region"() ({
      %run_scoped3A = tpu.sem_alloc : memref<!tpu.dma_semaphore, #tpu.memory_space<semaphore_mem>>
      %dma_start3A_182 = tpu.memref_slice %arg2[%mul3A_2] : memref<32768xi32, #tpu.memory_space<hbm>> -> memref<1024xi32, #tpu.memory_space<hbm>>
      %dma_start3A_183 = tpu.memref_slice %arg2[%mul3A_2] : memref<32768xi32, #tpu.memory_space<hbm>> -> memref<1024xi32, #tpu.memory_space<hbm>>
      tpu.enqueue_dma source(%dma_start3A_183 : memref<1024xi32, #tpu.memory_space<hbm>>) target(%arg5 : memref<1024xi32, #tpu.memory_space<vmem>>) target_semaphore(%run_scoped3A : memref<!tpu.dma_semaphore, #tpu.memory_space<semaphore_mem>>)
      %dma_wait3A_184 = tpu.memref_slice %arg2[%mul3A_2] : memref<32768xi32, #tpu.memory_space<hbm>> -> memref<1024xi32, #tpu.memory_space<hbm>>
      %dma_wait3A_185 = tpu.memref_slice %arg2[%mul3A_2] : memref<32768xi32, #tpu.memory_space<hbm>> -> memref<1024xi32, #tpu.memory_space<hbm>>
      tpu.wait_dma2 semaphore(%run_scoped3A : memref<!tpu.dma_semaphore, #tpu.memory_space<semaphore_mem>>) src(%dma_wait3A_185 : memref<1024xi32, #tpu.memory_space<hbm>>) dst(%arg5 : memref<1024xi32, #tpu.memory_space<vmem>>)
      tpu.yield
    }) : () -> ()
    %dma_start3A = arith.constant 0 : i32
    %dma_start3A_3 = tpu.memref_slice %arg5[%dma_start3A] : memref<1024xi32, #tpu.memory_space<vmem>> -> memref<16xi32, #tpu.memory_space<vmem>>
    %dma_start3A_4 = arith.constant 0 : i32
    %dma_start3A_5 = arith.constant 0 : i32
    %dma_start3A_6 = tpu.memref_slice %arg3[%dma_start3A_4, %dma_start3A_5] : memref<100000x1024xf32, #tpu.memory_space<hbm>> -> memref<100000x1024xf32, #tpu.memory_space<hbm>>
    tpu.enqueue_indirect_dma source(%dma_start3A_6 : memref<100000x1024xf32, #tpu.memory_space<hbm>>) target(%arg6 : memref<16x1024xf32, #tpu.memory_space<vmem>>) offsets(%dma_start3A_3 : memref<16xi32, #tpu.memory_space<vmem>>) semaphore(%arg10 : memref<!tpu.dma_semaphore, #tpu.memory_space<semaphore_mem>>)
    %dma_start3A_7 = arith.constant 16 : i32
    %dma_start3A_8 = tpu.memref_slice %arg5[%dma_start3A_7] : memref<1024xi32, #tpu.memory_space<vmem>> -> memref<16xi32, #tpu.memory_space<vmem>>
    %dma_start3A_9 = arith.constant 0 : i32
    %dma_start3A_10 = arith.constant 0 : i32
    %dma_start3A_11 = tpu.memref_slice %arg3[%dma_start3A_9, %dma_start3A_10] : memref<100000x1024xf32, #tpu.memory_space<hbm>> -> memref<100000x1024xf32, #tpu.memory_space<hbm>>
    tpu.enqueue_indirect_dma source(%dma_start3A_11 : memref<100000x1024xf32, #tpu.memory_space<hbm>>) target(%arg7 : memref<16x1024xf32, #tpu.memory_space<vmem>>) offsets(%dma_start3A_8 : memref<16xi32, #tpu.memory_space<vmem>>) semaphore(%arg11 : memref<!tpu.dma_semaphore, #tpu.memory_space<semaphore_mem>>)
    %dma_start3A_12 = arith.constant 32 : i32
    %dma_start3A_13 = tpu.memref_slice %arg5[%dma_start3A_12] : memref<1024xi32, #tpu.memory_space<vmem>> -> memref<16xi32, #tpu.memory_space<vmem>>
    %dma_start3A_14 = arith.constant 0 : i32
    %dma_start3A_15 = arith.constant 0 : i32
    %dma_start3A_16 = tpu.memref_slice %arg3[%dma_start3A_14, %dma_start3A_15] : memref<100000x1024xf32, #tpu.memory_space<hbm>> -> memref<100000x1024xf32, #tpu.memory_space<hbm>>
    tpu.enqueue_indirect_dma source(%dma_start3A_16 : memref<100000x1024xf32, #tpu.memory_space<hbm>>) target(%arg8 : memref<16x1024xf32, #tpu.memory_space<vmem>>) offsets(%dma_start3A_13 : memref<16xi32, #tpu.memory_space<vmem>>) semaphore(%arg12 : memref<!tpu.dma_semaphore, #tpu.memory_space<semaphore_mem>>)
    %dma_wait3A = arith.constant 0 : i32
    %dma_wait3A_17 = tpu.memref_slice %arg5[%dma_wait3A] : memref<1024xi32, #tpu.memory_space<vmem>> -> memref<16xi32, #tpu.memory_space<vmem>>
    %dma_wait3A_18 = arith.constant 0 : i32
    %dma_wait3A_19 = arith.constant 0 : i32
    %dma_wait3A_20 = tpu.memref_slice %arg3[%dma_wait3A_18, %dma_wait3A_19] : memref<100000x1024xf32, #tpu.memory_space<hbm>> -> memref<100000x1024xf32, #tpu.memory_space<hbm>>
    tpu.wait_indirect_dma semaphore(%arg10 : memref<!tpu.dma_semaphore, #tpu.memory_space<semaphore_mem>>) src(%dma_wait3A_20 : memref<100000x1024xf32, #tpu.memory_space<hbm>>) dst(%arg6 : memref<16x1024xf32, #tpu.memory_space<vmem>>)
    %dma_start3A_21 = arith.constant 48 : i32
    %dma_start3A_22 = tpu.memref_slice %arg5[%dma_start3A_21] : memref<1024xi32, #tpu.memory_space<vmem>> -> memref<16xi32, #tpu.memory_space<vmem>>
    %dma_start3A_23 = arith.constant 0 : i32
    %dma_start3A_24 = arith.constant 0 : i32
    %dma_start3A_25 = tpu.memref_slice %arg3[%dma_start3A_23, %dma_start3A_24] : memref<100000x1024xf32, #tpu.memory_space<hbm>> -> memref<100000x1024xf32, #tpu.memory_space<hbm>>
    tpu.enqueue_indirect_dma source(%dma_start3A_25 : memref<100000x1024xf32, #tpu.memory_space<hbm>>) target(%arg9 : memref<16x1024xf32, #tpu.memory_space<vmem>>) offsets(%dma_start3A_22 : memref<16xi32, #tpu.memory_space<vmem>>) semaphore(%arg13 : memref<!tpu.dma_semaphore, #tpu.memory_space<semaphore_mem>>)
    %add3A_26 = arith.constant 0 : i32
    %add3A_27 = arith.addi %mul3A_2, %add3A_26 : i32
    %dma_start3A_28 = arith.constant 0 : i32
    %dma_start3A_29 = tpu.memref_slice %arg4[%add3A_27, %dma_start3A_28] : memref<32768x1024xf32, #tpu.memory_space<hbm>> -> memref<16x1024xf32, #tpu.memory_space<hbm>>
    %dma_start3A_30 = arith.constant 0 : i32
    %dma_start3A_31 = tpu.memref_slice %arg4[%add3A_27, %dma_start3A_30] : memref<32768x1024xf32, #tpu.memory_space<hbm>> -> memref<16x1024xf32, #tpu.memory_space<hbm>>
    tpu.enqueue_dma source(%arg6 : memref<16x1024xf32, #tpu.memory_space<vmem>>) target(%dma_start3A_31 : memref<16x1024xf32, #tpu.memory_space<hbm>>) target_semaphore(%arg14 : memref<!tpu.dma_semaphore, #tpu.memory_space<semaphore_mem>>)
    %dma_wait3A_32 = arith.constant 16 : i32
    %dma_wait3A_33 = tpu.memref_slice %arg5[%dma_wait3A_32] : memref<1024xi32, #tpu.memory_space<vmem>> -> memref<16xi32, #tpu.memory_space<vmem>>
    %dma_wait3A_34 = arith.constant 0 : i32
    %dma_wait3A_35 = arith.constant 0 : i32
    %dma_wait3A_36 = tpu.memref_slice %arg3[%dma_wait3A_34, %dma_wait3A_35] : memref<100000x1024xf32, #tpu.memory_space<hbm>> -> memref<100000x1024xf32, #tpu.memory_space<hbm>>
    tpu.wait_indirect_dma semaphore(%arg11 : memref<!tpu.dma_semaphore, #tpu.memory_space<semaphore_mem>>) src(%dma_wait3A_36 : memref<100000x1024xf32, #tpu.memory_space<hbm>>) dst(%arg7 : memref<16x1024xf32, #tpu.memory_space<vmem>>)
    %add3A_37 = arith.constant 0 : i32
    %add3A_38 = arith.addi %mul3A_2, %add3A_37 : i32
    %dma_wait3A_39 = arith.constant 0 : i32
    %dma_wait3A_40 = tpu.memref_slice %arg4[%add3A_38, %dma_wait3A_39] : memref<32768x1024xf32, #tpu.memory_space<hbm>> -> memref<16x1024xf32, #tpu.memory_space<hbm>>
    %dma_wait3A_41 = arith.constant 0 : i32
    %dma_wait3A_42 = tpu.memref_slice %arg4[%add3A_38, %dma_wait3A_41] : memref<32768x1024xf32, #tpu.memory_space<hbm>> -> memref<16x1024xf32, #tpu.memory_space<hbm>>
    tpu.wait_dma2 semaphore(%arg14 : memref<!tpu.dma_semaphore, #tpu.memory_space<semaphore_mem>>) src(%arg6 : memref<16x1024xf32, #tpu.memory_space<vmem>>) dst(%dma_wait3A_42 : memref<16x1024xf32, #tpu.memory_space<hbm>>)
    %dma_start3A_43 = arith.constant 64 : i32
    %dma_start3A_44 = tpu.memref_slice %arg5[%dma_start3A_43] : memref<1024xi32, #tpu.memory_space<vmem>> -> memref<16xi32, #tpu.memory_space<vmem>>
    %dma_start3A_45 = arith.constant 0 : i32
    %dma_start3A_46 = arith.constant 0 : i32
    %dma_start3A_47 = tpu.memref_slice %arg3[%dma_start3A_45, %dma_start3A_46] : memref<100000x1024xf32, #tpu.memory_space<hbm>> -> memref<100000x1024xf32, #tpu.memory_space<hbm>>
    tpu.enqueue_indirect_dma source(%dma_start3A_47 : memref<100000x1024xf32, #tpu.memory_space<hbm>>) target(%arg6 : memref<16x1024xf32, #tpu.memory_space<vmem>>) offsets(%dma_start3A_44 : memref<16xi32, #tpu.memory_space<vmem>>) semaphore(%arg10 : memref<!tpu.dma_semaphore, #tpu.memory_space<semaphore_mem>>)
    %add3A_48 = arith.constant 16 : i32
    %add3A_49 = arith.addi %mul3A_2, %add3A_48 : i32
    %dma_start3A_50 = arith.constant 0 : i32
    %dma_start3A_51 = tpu.memref_slice %arg4[%add3A_49, %dma_start3A_50] : memref<32768x1024xf32, #tpu.memory_space<hbm>> -> memref<16x1024xf32, #tpu.memory_space<hbm>>
    %dma_start3A_52 = arith.constant 0 : i32
    %dma_start3A_53 = tpu.memref_slice %arg4[%add3A_49, %dma_start3A_52] : memref<32768x1024xf32, #tpu.memory_space<hbm>> -> memref<16x1024xf32, #tpu.memory_space<hbm>>
    tpu.enqueue_dma source(%arg7 : memref<16x1024xf32, #tpu.memory_space<vmem>>) target(%dma_start3A_53 : memref<16x1024xf32, #tpu.memory_space<hbm>>) target_semaphore(%arg15 : memref<!tpu.dma_semaphore, #tpu.memory_space<semaphore_mem>>)
    %dma_wait3A_54 = arith.constant 32 : i32
    %dma_wait3A_55 = tpu.memref_slice %arg5[%dma_wait3A_54] : memref<1024xi32, #tpu.memory_space<vmem>> -> memref<16xi32, #tpu.memory_space<vmem>>
    %dma_wait3A_56 = arith.constant 0 : i32
    %dma_wait3A_57 = arith.constant 0 : i32
    %dma_wait3A_58 = tpu.memref_slice %arg3[%dma_wait3A_56, %dma_wait3A_57] : memref<100000x1024xf32, #tpu.memory_space<hbm>> -> memref<100000x1024xf32, #tpu.memory_space<hbm>>
    tpu.wait_indirect_dma semaphore(%arg12 : memref<!tpu.dma_semaphore, #tpu.memory_space<semaphore_mem>>) src(%dma_wait3A_58 : memref<100000x1024xf32, #tpu.memory_space<hbm>>) dst(%arg8 : memref<16x1024xf32, #tpu.memory_space<vmem>>)
    %add3A_59 = arith.constant 16 : i32
    %add3A_60 = arith.addi %mul3A_2, %add3A_59 : i32
    %dma_wait3A_61 = arith.constant 0 : i32
    %dma_wait3A_62 = tpu.memref_slice %arg4[%add3A_60, %dma_wait3A_61] : memref<32768x1024xf32, #tpu.memory_space<hbm>> -> memref<16x1024xf32, #tpu.memory_space<hbm>>
    %dma_wait3A_63 = arith.constant 0 : i32
    %dma_wait3A_64 = tpu.memref_slice %arg4[%add3A_60, %dma_wait3A_63] : memref<32768x1024xf32, #tpu.memory_space<hbm>> -> memref<16x1024xf32, #tpu.memory_space<hbm>>
    tpu.wait_dma2 semaphore(%arg15 : memref<!tpu.dma_semaphore, #tpu.memory_space<semaphore_mem>>) src(%arg7 : memref<16x1024xf32, #tpu.memory_space<vmem>>) dst(%dma_wait3A_64 : memref<16x1024xf32, #tpu.memory_space<hbm>>)
    %dma_start3A_65 = arith.constant 80 : i32
    %dma_start3A_66 = tpu.memref_slice %arg5[%dma_start3A_65] : memref<1024xi32, #tpu.memory_space<vmem>> -> memref<16xi32, #tpu.memory_space<vmem>>
    %dma_start3A_67 = arith.constant 0 : i32
    %dma_start3A_68 = arith.constant 0 : i32
    %dma_start3A_69 = tpu.memref_slice %arg3[%dma_start3A_67, %dma_start3A_68] : memref<100000x1024xf32, #tpu.memory_space<hbm>> -> memref<100000x1024xf32, #tpu.memory_space<hbm>>
    tpu.enqueue_indirect_dma source(%dma_start3A_69 : memref<100000x1024xf32, #tpu.memory_space<hbm>>) target(%arg7 : memref<16x1024xf32, #tpu.memory_space<vmem>>) offsets(%dma_start3A_66 : memref<16xi32, #tpu.memory_space<vmem>>) semaphore(%arg11 : memref<!tpu.dma_semaphore, #tpu.memory_space<semaphore_mem>>)
    %add3A_70 = arith.constant 32 : i32
    %add3A_71 = arith.addi %mul3A_2, %add3A_70 : i32
    %dma_start3A_72 = arith.constant 0 : i32
    %dma_start3A_73 = tpu.memref_slice %arg4[%add3A_71, %dma_start3A_72] : memref<32768x1024xf32, #tpu.memory_space<hbm>> -> memref<16x1024xf32, #tpu.memory_space<hbm>>
    %dma_start3A_74 = arith.constant 0 : i32
    %dma_start3A_75 = tpu.memref_slice %arg4[%add3A_71, %dma_start3A_74] : memref<32768x1024xf32, #tpu.memory_space<hbm>> -> memref<16x1024xf32, #tpu.memory_space<hbm>>
    tpu.enqueue_dma source(%arg8 : memref<16x1024xf32, #tpu.memory_space<vmem>>) target(%dma_start3A_75 : memref<16x1024xf32, #tpu.memory_space<hbm>>) target_semaphore(%arg16 : memref<!tpu.dma_semaphore, #tpu.memory_space<semaphore_mem>>)
    %dma_wait3A_76 = arith.constant 48 : i32
    %dma_wait3A_77 = tpu.memref_slice %arg5[%dma_wait3A_76] : memref<1024xi32, #tpu.memory_space<vmem>> -> memref<16xi32, #tpu.memory_space<vmem>>
    %dma_wait3A_78 = arith.constant 0 : i32
    %dma_wait3A_79 = arith.constant 0 : i32
    %dma_wait3A_80 = tpu.memref_slice %arg3[%dma_wait3A_78, %dma_wait3A_79] : memref<100000x1024xf32, #tpu.memory_space<hbm>> -> memref<100000x1024xf32, #tpu.memory_space<hbm>>
    tpu.wait_indirect_dma semaphore(%arg13 : memref<!tpu.dma_semaphore, #tpu.memory_space<semaphore_mem>>) src(%dma_wait3A_80 : memref<100000x1024xf32, #tpu.memory_space<hbm>>) dst(%arg9 : memref<16x1024xf32, #tpu.memory_space<vmem>>)
    %add3A_81 = arith.constant 32 : i32
    %add3A_82 = arith.addi %mul3A_2, %add3A_81 : i32
    %dma_wait3A_83 = arith.constant 0 : i32
    %dma_wait3A_84 = tpu.memref_slice %arg4[%add3A_82, %dma_wait3A_83] : memref<32768x1024xf32, #tpu.memory_space<hbm>> -> memref<16x1024xf32, #tpu.memory_space<hbm>>
    %dma_wait3A_85 = arith.constant 0 : i32
    %dma_wait3A_86 = tpu.memref_slice %arg4[%add3A_82, %dma_wait3A_85] : memref<32768x1024xf32, #tpu.memory_space<hbm>> -> memref<16x1024xf32, #tpu.memory_space<hbm>>
    tpu.wait_dma2 semaphore(%arg16 : memref<!tpu.dma_semaphore, #tpu.memory_space<semaphore_mem>>) src(%arg8 : memref<16x1024xf32, #tpu.memory_space<vmem>>) dst(%dma_wait3A_86 : memref<16x1024xf32, #tpu.memory_space<hbm>>)
    %dma_start3A_87 = arith.constant 96 : i32
    %dma_start3A_88 = tpu.memref_slice %arg5[%dma_start3A_87] : memref<1024xi32, #tpu.memory_space<vmem>> -> memref<16xi32, #tpu.memory_space<vmem>>
    %dma_start3A_89 = arith.constant 0 : i32
    %dma_start3A_90 = arith.constant 0 : i32
    %dma_start3A_91 = tpu.memref_slice %arg3[%dma_start3A_89, %dma_start3A_90] : memref<100000x1024xf32, #tpu.memory_space<hbm>> -> memref<100000x1024xf32, #tpu.memory_space<hbm>>
    tpu.enqueue_indirect_dma source(%dma_start3A_91 : memref<100000x1024xf32, #tpu.memory_space<hbm>>) target(%arg8 : memref<16x1024xf32, #tpu.memory_space<vmem>>) offsets(%dma_start3A_88 : memref<16xi32, #tpu.memory_space<vmem>>) semaphore(%arg12 : memref<!tpu.dma_semaphore, #tpu.memory_space<semaphore_mem>>)
    %add3A_92 = arith.constant 48 : i32
    %add3A_93 = arith.addi %mul3A_2, %add3A_92 : i32
    %dma_start3A_94 = arith.constant 0 : i32
    %dma_start3A_95 = tpu.memref_slice %arg4[%add3A_93, %dma_start3A_94] : memref<32768x1024xf32, #tpu.memory_space<hbm>> -> memref<16x1024xf32, #tpu.memory_space<hbm>>
    %dma_start3A_96 = arith.constant 0 : i32
    %dma_start3A_97 = tpu.memref_slice %arg4[%add3A_93, %dma_start3A_96] : memref<32768x1024xf32, #tpu.memory_space<hbm>> -> memref<16x1024xf32, #tpu.memory_space<hbm>>
    tpu.enqueue_dma source(%arg9 : memref<16x1024xf32, #tpu.memory_space<vmem>>) target(%dma_start3A_97 : memref<16x1024xf32, #tpu.memory_space<hbm>>) target_semaphore(%arg17 : memref<!tpu.dma_semaphore, #tpu.memory_space<semaphore_mem>>)
    %scan3A = arith.constant 0 : i32
    %scan3A_98 = arith.constant 1 : i32
    %scan3A_99 = arith.constant 14 : i32
    %scan3A_100 = arith.addi %scan3A_98, %scan3A_99 : i32
    %scan3A_101 = arith.constant 1 : i32
    scf.for %scan3A_182 = %scan3A_98 to %scan3A_100 step %scan3A_101  : i32 {
      %mul3A_183 = arith.constant 4 : i32
      %mul3A_184 = arith.muli %scan3A_182, %mul3A_183 : i32
      %add3A_185 = arith.constant 0 : i32
      %add3A_186 = arith.addi %mul3A_184, %add3A_185 : i32
      %mul3A_187 = arith.constant 16 : i32
      %mul3A_188 = arith.muli %add3A_186, %mul3A_187 : i32
      %dma_wait3A_189 = tpu.memref_slice %arg5[%mul3A_188] : memref<1024xi32, #tpu.memory_space<vmem>> -> memref<16xi32, #tpu.memory_space<vmem>>
      %dma_wait3A_190 = arith.constant 0 : i32
      %dma_wait3A_191 = arith.constant 0 : i32
      %dma_wait3A_192 = tpu.memref_slice %arg3[%dma_wait3A_190, %dma_wait3A_191] : memref<100000x1024xf32, #tpu.memory_space<hbm>> -> memref<100000x1024xf32, #tpu.memory_space<hbm>>
      tpu.wait_indirect_dma semaphore(%arg10 : memref<!tpu.dma_semaphore, #tpu.memory_space<semaphore_mem>>) src(%dma_wait3A_192 : memref<100000x1024xf32, #tpu.memory_space<hbm>>) dst(%arg6 : memref<16x1024xf32, #tpu.memory_space<vmem>>)
      %sub3A = arith.constant 1 : i32
      %sub3A_193 = arith.subi %add3A_186, %sub3A : i32
      %mul3A_194 = arith.constant 16 : i32
      %mul3A_195 = arith.muli %sub3A_193, %mul3A_194 : i32
      %add3A_196 = arith.addi %mul3A_2, %mul3A_195 : i32
      %dma_wait3A_197 = arith.constant 0 : i32
      %dma_wait3A_198 = tpu.memref_slice %arg4[%add3A_196, %dma_wait3A_197] : memref<32768x1024xf32, #tpu.memory_space<hbm>> -> memref<16x1024xf32, #tpu.memory_space<hbm>>
      %dma_wait3A_199 = arith.constant 0 : i32
      %dma_wait3A_200 = tpu.memref_slice %arg4[%add3A_196, %dma_wait3A_199] : memref<32768x1024xf32, #tpu.memory_space<hbm>> -> memref<16x1024xf32, #tpu.memory_space<hbm>>
      tpu.wait_dma2 semaphore(%arg17 : memref<!tpu.dma_semaphore, #tpu.memory_space<semaphore_mem>>) src(%arg9 : memref<16x1024xf32, #tpu.memory_space<vmem>>) dst(%dma_wait3A_200 : memref<16x1024xf32, #tpu.memory_space<hbm>>)
      %add3A_201 = arith.constant 3 : i32
      %add3A_202 = arith.addi %add3A_186, %add3A_201 : i32
      %mul3A_203 = arith.constant 16 : i32
      %mul3A_204 = arith.muli %add3A_202, %mul3A_203 : i32
      %dma_start3A_205 = tpu.memref_slice %arg5[%mul3A_204] : memref<1024xi32, #tpu.memory_space<vmem>> -> memref<16xi32, #tpu.memory_space<vmem>>
      %dma_start3A_206 = arith.constant 0 : i32
      %dma_start3A_207 = arith.constant 0 : i32
      %dma_start3A_208 = tpu.memref_slice %arg3[%dma_start3A_206, %dma_start3A_207] : memref<100000x1024xf32, #tpu.memory_space<hbm>> -> memref<100000x1024xf32, #tpu.memory_space<hbm>>
      tpu.enqueue_indirect_dma source(%dma_start3A_208 : memref<100000x1024xf32, #tpu.memory_space<hbm>>) target(%arg9 : memref<16x1024xf32, #tpu.memory_space<vmem>>) offsets(%dma_start3A_205 : memref<16xi32, #tpu.memory_space<vmem>>) semaphore(%arg13 : memref<!tpu.dma_semaphore, #tpu.memory_space<semaphore_mem>>)
      %mul3A_209 = arith.constant 16 : i32
      %mul3A_210 = arith.muli %add3A_186, %mul3A_209 : i32
      %add3A_211 = arith.addi %mul3A_2, %mul3A_210 : i32
      %dma_start3A_212 = arith.constant 0 : i32
      %dma_start3A_213 = tpu.memref_slice %arg4[%add3A_211, %dma_start3A_212] : memref<32768x1024xf32, #tpu.memory_space<hbm>> -> memref<16x1024xf32, #tpu.memory_space<hbm>>
      %dma_start3A_214 = arith.constant 0 : i32
      %dma_start3A_215 = tpu.memref_slice %arg4[%add3A_211, %dma_start3A_214] : memref<32768x1024xf32, #tpu.memory_space<hbm>> -> memref<16x1024xf32, #tpu.memory_space<hbm>>
      tpu.enqueue_dma source(%arg6 : memref<16x1024xf32, #tpu.memory_space<vmem>>) target(%dma_start3A_215 : memref<16x1024xf32, #tpu.memory_space<hbm>>) target_semaphore(%arg14 : memref<!tpu.dma_semaphore, #tpu.memory_space<semaphore_mem>>)
      %add3A_216 = arith.constant 1 : i32
      %add3A_217 = arith.addi %mul3A_184, %add3A_216 : i32
      %mul3A_218 = arith.constant 16 : i32
      %mul3A_219 = arith.muli %add3A_217, %mul3A_218 : i32
      %dma_wait3A_220 = tpu.memref_slice %arg5[%mul3A_219] : memref<1024xi32, #tpu.memory_space<vmem>> -> memref<16xi32, #tpu.memory_space<vmem>>
      %dma_wait3A_221 = arith.constant 0 : i32
      %dma_wait3A_222 = arith.constant 0 : i32
      %dma_wait3A_223 = tpu.memref_slice %arg3[%dma_wait3A_221, %dma_wait3A_222] : memref<100000x1024xf32, #tpu.memory_space<hbm>> -> memref<100000x1024xf32, #tpu.memory_space<hbm>>
      tpu.wait_indirect_dma semaphore(%arg11 : memref<!tpu.dma_semaphore, #tpu.memory_space<semaphore_mem>>) src(%dma_wait3A_223 : memref<100000x1024xf32, #tpu.memory_space<hbm>>) dst(%arg7 : memref<16x1024xf32, #tpu.memory_space<vmem>>)
      %sub3A_224 = arith.constant 1 : i32
      %sub3A_225 = arith.subi %add3A_217, %sub3A_224 : i32
      %mul3A_226 = arith.constant 16 : i32
      %mul3A_227 = arith.muli %sub3A_225, %mul3A_226 : i32
      %add3A_228 = arith.addi %mul3A_2, %mul3A_227 : i32
      %dma_wait3A_229 = arith.constant 0 : i32
      %dma_wait3A_230 = tpu.memref_slice %arg4[%add3A_228, %dma_wait3A_229] : memref<32768x1024xf32, #tpu.memory_space<hbm>> -> memref<16x1024xf32, #tpu.memory_space<hbm>>
      %dma_wait3A_231 = arith.constant 0 : i32
      %dma_wait3A_232 = tpu.memref_slice %arg4[%add3A_228, %dma_wait3A_231] : memref<32768x1024xf32, #tpu.memory_space<hbm>> -> memref<16x1024xf32, #tpu.memory_space<hbm>>
      tpu.wait_dma2 semaphore(%arg14 : memref<!tpu.dma_semaphore, #tpu.memory_space<semaphore_mem>>) src(%arg6 : memref<16x1024xf32, #tpu.memory_space<vmem>>) dst(%dma_wait3A_232 : memref<16x1024xf32, #tpu.memory_space<hbm>>)
      %add3A_233 = arith.constant 3 : i32
      %add3A_234 = arith.addi %add3A_217, %add3A_233 : i32
      %mul3A_235 = arith.constant 16 : i32
      %mul3A_236 = arith.muli %add3A_234, %mul3A_235 : i32
      %dma_start3A_237 = tpu.memref_slice %arg5[%mul3A_236] : memref<1024xi32, #tpu.memory_space<vmem>> -> memref<16xi32, #tpu.memory_space<vmem>>
      %dma_start3A_238 = arith.constant 0 : i32
      %dma_start3A_239 = arith.constant 0 : i32
      %dma_start3A_240 = tpu.memref_slice %arg3[%dma_start3A_238, %dma_start3A_239] : memref<100000x1024xf32, #tpu.memory_space<hbm>> -> memref<100000x1024xf32, #tpu.memory_space<hbm>>
      tpu.enqueue_indirect_dma source(%dma_start3A_240 : memref<100000x1024xf32, #tpu.memory_space<hbm>>) target(%arg6 : memref<16x1024xf32, #tpu.memory_space<vmem>>) offsets(%dma_start3A_237 : memref<16xi32, #tpu.memory_space<vmem>>) semaphore(%arg10 : memref<!tpu.dma_semaphore, #tpu.memory_space<semaphore_mem>>)
      %mul3A_241 = arith.constant 16 : i32
      %mul3A_242 = arith.muli %add3A_217, %mul3A_241 : i32
      %add3A_243 = arith.addi %mul3A_2, %mul3A_242 : i32
      %dma_start3A_244 = arith.constant 0 : i32
      %dma_start3A_245 = tpu.memref_slice %arg4[%add3A_243, %dma_start3A_244] : memref<32768x1024xf32, #tpu.memory_space<hbm>> -> memref<16x1024xf32, #tpu.memory_space<hbm>>
      %dma_start3A_246 = arith.constant 0 : i32
      %dma_start3A_247 = tpu.memref_slice %arg4[%add3A_243, %dma_start3A_246] : memref<32768x1024xf32, #tpu.memory_space<hbm>> -> memref<16x1024xf32, #tpu.memory_space<hbm>>
      tpu.enqueue_dma source(%arg7 : memref<16x1024xf32, #tpu.memory_space<vmem>>) target(%dma_start3A_247 : memref<16x1024xf32, #tpu.memory_space<hbm>>) target_semaphore(%arg15 : memref<!tpu.dma_semaphore, #tpu.memory_space<semaphore_mem>>)
      %add3A_248 = arith.constant 2 : i32
      %add3A_249 = arith.addi %mul3A_184, %add3A_248 : i32
      %mul3A_250 = arith.constant 16 : i32
      %mul3A_251 = arith.muli %add3A_249, %mul3A_250 : i32
      %dma_wait3A_252 = tpu.memref_slice %arg5[%mul3A_251] : memref<1024xi32, #tpu.memory_space<vmem>> -> memref<16xi32, #tpu.memory_space<vmem>>
      %dma_wait3A_253 = arith.constant 0 : i32
      %dma_wait3A_254 = arith.constant 0 : i32
      %dma_wait3A_255 = tpu.memref_slice %arg3[%dma_wait3A_253, %dma_wait3A_254] : memref<100000x1024xf32, #tpu.memory_space<hbm>> -> memref<100000x1024xf32, #tpu.memory_space<hbm>>
      tpu.wait_indirect_dma semaphore(%arg12 : memref<!tpu.dma_semaphore, #tpu.memory_space<semaphore_mem>>) src(%dma_wait3A_255 : memref<100000x1024xf32, #tpu.memory_space<hbm>>) dst(%arg8 : memref<16x1024xf32, #tpu.memory_space<vmem>>)
      %sub3A_256 = arith.constant 1 : i32
      %sub3A_257 = arith.subi %add3A_249, %sub3A_256 : i32
      %mul3A_258 = arith.constant 16 : i32
      %mul3A_259 = arith.muli %sub3A_257, %mul3A_258 : i32
      %add3A_260 = arith.addi %mul3A_2, %mul3A_259 : i32
      %dma_wait3A_261 = arith.constant 0 : i32
      %dma_wait3A_262 = tpu.memref_slice %arg4[%add3A_260, %dma_wait3A_261] : memref<32768x1024xf32, #tpu.memory_space<hbm>> -> memref<16x1024xf32, #tpu.memory_space<hbm>>
      %dma_wait3A_263 = arith.constant 0 : i32
      %dma_wait3A_264 = tpu.memref_slice %arg4[%add3A_260, %dma_wait3A_263] : memref<32768x1024xf32, #tpu.memory_space<hbm>> -> memref<16x1024xf32, #tpu.memory_space<hbm>>
      tpu.wait_dma2 semaphore(%arg15 : memref<!tpu.dma_semaphore, #tpu.memory_space<semaphore_mem>>) src(%arg7 : memref<16x1024xf32, #tpu.memory_space<vmem>>) dst(%dma_wait3A_264 : memref<16x1024xf32, #tpu.memory_space<hbm>>)
      %add3A_265 = arith.constant 3 : i32
      %add3A_266 = arith.addi %add3A_249, %add3A_265 : i32
      %mul3A_267 = arith.constant 16 : i32
      %mul3A_268 = arith.muli %add3A_266, %mul3A_267 : i32
      %dma_start3A_269 = tpu.memref_slice %arg5[%mul3A_268] : memref<1024xi32, #tpu.memory_space<vmem>> -> memref<16xi32, #tpu.memory_space<vmem>>
      %dma_start3A_270 = arith.constant 0 : i32
      %dma_start3A_271 = arith.constant 0 : i32
      %dma_start3A_272 = tpu.memref_slice %arg3[%dma_start3A_270, %dma_start3A_271] : memref<100000x1024xf32, #tpu.memory_space<hbm>> -> memref<100000x1024xf32, #tpu.memory_space<hbm>>
      tpu.enqueue_indirect_dma source(%dma_start3A_272 : memref<100000x1024xf32, #tpu.memory_space<hbm>>) target(%arg7 : memref<16x1024xf32, #tpu.memory_space<vmem>>) offsets(%dma_start3A_269 : memref<16xi32, #tpu.memory_space<vmem>>) semaphore(%arg11 : memref<!tpu.dma_semaphore, #tpu.memory_space<semaphore_mem>>)
      %mul3A_273 = arith.constant 16 : i32
      %mul3A_274 = arith.muli %add3A_249, %mul3A_273 : i32
      %add3A_275 = arith.addi %mul3A_2, %mul3A_274 : i32
      %dma_start3A_276 = arith.constant 0 : i32
      %dma_start3A_277 = tpu.memref_slice %arg4[%add3A_275, %dma_start3A_276] : memref<32768x1024xf32, #tpu.memory_space<hbm>> -> memref<16x1024xf32, #tpu.memory_space<hbm>>
      %dma_start3A_278 = arith.constant 0 : i32
      %dma_start3A_279 = tpu.memref_slice %arg4[%add3A_275, %dma_start3A_278] : memref<32768x1024xf32, #tpu.memory_space<hbm>> -> memref<16x1024xf32, #tpu.memory_space<hbm>>
      tpu.enqueue_dma source(%arg8 : memref<16x1024xf32, #tpu.memory_space<vmem>>) target(%dma_start3A_279 : memref<16x1024xf32, #tpu.memory_space<hbm>>) target_semaphore(%arg16 : memref<!tpu.dma_semaphore, #tpu.memory_space<semaphore_mem>>)
      %add3A_280 = arith.constant 3 : i32
      %add3A_281 = arith.addi %mul3A_184, %add3A_280 : i32
      %mul3A_282 = arith.constant 16 : i32
      %mul3A_283 = arith.muli %add3A_281, %mul3A_282 : i32
      %dma_wait3A_284 = tpu.memref_slice %arg5[%mul3A_283] : memref<1024xi32, #tpu.memory_space<vmem>> -> memref<16xi32, #tpu.memory_space<vmem>>
      %dma_wait3A_285 = arith.constant 0 : i32
      %dma_wait3A_286 = arith.constant 0 : i32
      %dma_wait3A_287 = tpu.memref_slice %arg3[%dma_wait3A_285, %dma_wait3A_286] : memref<100000x1024xf32, #tpu.memory_space<hbm>> -> memref<100000x1024xf32, #tpu.memory_space<hbm>>
      tpu.wait_indirect_dma semaphore(%arg13 : memref<!tpu.dma_semaphore, #tpu.memory_space<semaphore_mem>>) src(%dma_wait3A_287 : memref<100000x1024xf32, #tpu.memory_space<hbm>>) dst(%arg9 : memref<16x1024xf32, #tpu.memory_space<vmem>>)
      %sub3A_288 = arith.constant 1 : i32
      %sub3A_289 = arith.subi %add3A_281, %sub3A_288 : i32
      %mul3A_290 = arith.constant 16 : i32
      %mul3A_291 = arith.muli %sub3A_289, %mul3A_290 : i32
      %add3A_292 = arith.addi %mul3A_2, %mul3A_291 : i32
      %dma_wait3A_293 = arith.constant 0 : i32
      %dma_wait3A_294 = tpu.memref_slice %arg4[%add3A_292, %dma_wait3A_293] : memref<32768x1024xf32, #tpu.memory_space<hbm>> -> memref<16x1024xf32, #tpu.memory_space<hbm>>
      %dma_wait3A_295 = arith.constant 0 : i32
      %dma_wait3A_296 = tpu.memref_slice %arg4[%add3A_292, %dma_wait3A_295] : memref<32768x1024xf32, #tpu.memory_space<hbm>> -> memref<16x1024xf32, #tpu.memory_space<hbm>>
      tpu.wait_dma2 semaphore(%arg16 : memref<!tpu.dma_semaphore, #tpu.memory_space<semaphore_mem>>) src(%arg8 : memref<16x1024xf32, #tpu.memory_space<vmem>>) dst(%dma_wait3A_296 : memref<16x1024xf32, #tpu.memory_space<hbm>>)
      %add3A_297 = arith.constant 3 : i32
      %add3A_298 = arith.addi %add3A_281, %add3A_297 : i32
      %mul3A_299 = arith.constant 16 : i32
      %mul3A_300 = arith.muli %add3A_298, %mul3A_299 : i32
      %dma_start3A_301 = tpu.memref_slice %arg5[%mul3A_300] : memref<1024xi32, #tpu.memory_space<vmem>> -> memref<16xi32, #tpu.memory_space<vmem>>
      %dma_start3A_302 = arith.constant 0 : i32
      %dma_start3A_303 = arith.constant 0 : i32
      %dma_start3A_304 = tpu.memref_slice %arg3[%dma_start3A_302, %dma_start3A_303] : memref<100000x1024xf32, #tpu.memory_space<hbm>> -> memref<100000x1024xf32, #tpu.memory_space<hbm>>
      tpu.enqueue_indirect_dma source(%dma_start3A_304 : memref<100000x1024xf32, #tpu.memory_space<hbm>>) target(%arg8 : memref<16x1024xf32, #tpu.memory_space<vmem>>) offsets(%dma_start3A_301 : memref<16xi32, #tpu.memory_space<vmem>>) semaphore(%arg12 : memref<!tpu.dma_semaphore, #tpu.memory_space<semaphore_mem>>)
      %mul3A_305 = arith.constant 16 : i32
      %mul3A_306 = arith.muli %add3A_281, %mul3A_305 : i32
      %add3A_307 = arith.addi %mul3A_2, %mul3A_306 : i32
      %dma_start3A_308 = arith.constant 0 : i32
      %dma_start3A_309 = tpu.memref_slice %arg4[%add3A_307, %dma_start3A_308] : memref<32768x1024xf32, #tpu.memory_space<hbm>> -> memref<16x1024xf32, #tpu.memory_space<hbm>>
      %dma_start3A_310 = arith.constant 0 : i32
      %dma_start3A_311 = tpu.memref_slice %arg4[%add3A_307, %dma_start3A_310] : memref<32768x1024xf32, #tpu.memory_space<hbm>> -> memref<16x1024xf32, #tpu.memory_space<hbm>>
      tpu.enqueue_dma source(%arg9 : memref<16x1024xf32, #tpu.memory_space<vmem>>) target(%dma_start3A_311 : memref<16x1024xf32, #tpu.memory_space<hbm>>) target_semaphore(%arg17 : memref<!tpu.dma_semaphore, #tpu.memory_space<semaphore_mem>>)
    }
    %scan3A_102 = arith.constant 14 : i32
    %dma_wait3A_103 = arith.constant 960 : i32
    %dma_wait3A_104 = tpu.memref_slice %arg5[%dma_wait3A_103] : memref<1024xi32, #tpu.memory_space<vmem>> -> memref<16xi32, #tpu.memory_space<vmem>>
    %dma_wait3A_105 = arith.constant 0 : i32
    %dma_wait3A_106 = arith.constant 0 : i32
    %dma_wait3A_107 = tpu.memref_slice %arg3[%dma_wait3A_105, %dma_wait3A_106] : memref<100000x1024xf32, #tpu.memory_space<hbm>> -> memref<100000x1024xf32, #tpu.memory_space<hbm>>
    tpu.wait_indirect_dma semaphore(%arg10 : memref<!tpu.dma_semaphore, #tpu.memory_space<semaphore_mem>>) src(%dma_wait3A_107 : memref<100000x1024xf32, #tpu.memory_space<hbm>>) dst(%arg6 : memref<16x1024xf32, #tpu.memory_space<vmem>>)
    %add3A_108 = arith.constant 944 : i32
    %add3A_109 = arith.addi %mul3A_2, %add3A_108 : i32
    %dma_wait3A_110 = arith.constant 0 : i32
    %dma_wait3A_111 = tpu.memref_slice %arg4[%add3A_109, %dma_wait3A_110] : memref<32768x1024xf32, #tpu.memory_space<hbm>> -> memref<16x1024xf32, #tpu.memory_space<hbm>>
    %dma_wait3A_112 = arith.constant 0 : i32
    %dma_wait3A_113 = tpu.memref_slice %arg4[%add3A_109, %dma_wait3A_112] : memref<32768x1024xf32, #tpu.memory_space<hbm>> -> memref<16x1024xf32, #tpu.memory_space<hbm>>
    tpu.wait_dma2 semaphore(%arg17 : memref<!tpu.dma_semaphore, #tpu.memory_space<semaphore_mem>>) src(%arg9 : memref<16x1024xf32, #tpu.memory_space<vmem>>) dst(%dma_wait3A_113 : memref<16x1024xf32, #tpu.memory_space<hbm>>)
    %dma_start3A_114 = arith.constant 1008 : i32
    %dma_start3A_115 = tpu.memref_slice %arg5[%dma_start3A_114] : memref<1024xi32, #tpu.memory_space<vmem>> -> memref<16xi32, #tpu.memory_space<vmem>>
    %dma_start3A_116 = arith.constant 0 : i32
    %dma_start3A_117 = arith.constant 0 : i32
    %dma_start3A_118 = tpu.memref_slice %arg3[%dma_start3A_116, %dma_start3A_117] : memref<100000x1024xf32, #tpu.memory_space<hbm>> -> memref<100000x1024xf32, #tpu.memory_space<hbm>>
    tpu.enqueue_indirect_dma source(%dma_start3A_118 : memref<100000x1024xf32, #tpu.memory_space<hbm>>) target(%arg9 : memref<16x1024xf32, #tpu.memory_space<vmem>>) offsets(%dma_start3A_115 : memref<16xi32, #tpu.memory_space<vmem>>) semaphore(%arg13 : memref<!tpu.dma_semaphore, #tpu.memory_space<semaphore_mem>>)
    %add3A_119 = arith.constant 960 : i32
    %add3A_120 = arith.addi %mul3A_2, %add3A_119 : i32
    %dma_start3A_121 = arith.constant 0 : i32
    %dma_start3A_122 = tpu.memref_slice %arg4[%add3A_120, %dma_start3A_121] : memref<32768x1024xf32, #tpu.memory_space<hbm>> -> memref<16x1024xf32, #tpu.memory_space<hbm>>
    %dma_start3A_123 = arith.constant 0 : i32
    %dma_start3A_124 = tpu.memref_slice %arg4[%add3A_120, %dma_start3A_123] : memref<32768x1024xf32, #tpu.memory_space<hbm>> -> memref<16x1024xf32, #tpu.memory_space<hbm>>
    tpu.enqueue_dma source(%arg6 : memref<16x1024xf32, #tpu.memory_space<vmem>>) target(%dma_start3A_124 : memref<16x1024xf32, #tpu.memory_space<hbm>>) target_semaphore(%arg14 : memref<!tpu.dma_semaphore, #tpu.memory_space<semaphore_mem>>)
    %dma_wait3A_125 = arith.constant 976 : i32
    %dma_wait3A_126 = tpu.memref_slice %arg5[%dma_wait3A_125] : memref<1024xi32, #tpu.memory_space<vmem>> -> memref<16xi32, #tpu.memory_space<vmem>>
    %dma_wait3A_127 = arith.constant 0 : i32
    %dma_wait3A_128 = arith.constant 0 : i32
    %dma_wait3A_129 = tpu.memref_slice %arg3[%dma_wait3A_127, %dma_wait3A_128] : memref<100000x1024xf32, #tpu.memory_space<hbm>> -> memref<100000x1024xf32, #tpu.memory_space<hbm>>
    tpu.wait_indirect_dma semaphore(%arg11 : memref<!tpu.dma_semaphore, #tpu.memory_space<semaphore_mem>>) src(%dma_wait3A_129 : memref<100000x1024xf32, #tpu.memory_space<hbm>>) dst(%arg7 : memref<16x1024xf32, #tpu.memory_space<vmem>>)
    %add3A_130 = arith.constant 960 : i32
    %add3A_131 = arith.addi %mul3A_2, %add3A_130 : i32
    %dma_wait3A_132 = arith.constant 0 : i32
    %dma_wait3A_133 = tpu.memref_slice %arg4[%add3A_131, %dma_wait3A_132] : memref<32768x1024xf32, #tpu.memory_space<hbm>> -> memref<16x1024xf32, #tpu.memory_space<hbm>>
    %dma_wait3A_134 = arith.constant 0 : i32
    %dma_wait3A_135 = tpu.memref_slice %arg4[%add3A_131, %dma_wait3A_134] : memref<32768x1024xf32, #tpu.memory_space<hbm>> -> memref<16x1024xf32, #tpu.memory_space<hbm>>
    tpu.wait_dma2 semaphore(%arg14 : memref<!tpu.dma_semaphore, #tpu.memory_space<semaphore_mem>>) src(%arg6 : memref<16x1024xf32, #tpu.memory_space<vmem>>) dst(%dma_wait3A_135 : memref<16x1024xf32, #tpu.memory_space<hbm>>)
    %add3A_136 = arith.constant 976 : i32
    %add3A_137 = arith.addi %mul3A_2, %add3A_136 : i32
    %dma_start3A_138 = arith.constant 0 : i32
    %dma_start3A_139 = tpu.memref_slice %arg4[%add3A_137, %dma_start3A_138] : memref<32768x1024xf32, #tpu.memory_space<hbm>> -> memref<16x1024xf32, #tpu.memory_space<hbm>>
    %dma_start3A_140 = arith.constant 0 : i32
    %dma_start3A_141 = tpu.memref_slice %arg4[%add3A_137, %dma_start3A_140] : memref<32768x1024xf32, #tpu.memory_space<hbm>> -> memref<16x1024xf32, #tpu.memory_space<hbm>>
    tpu.enqueue_dma source(%arg7 : memref<16x1024xf32, #tpu.memory_space<vmem>>) target(%dma_start3A_141 : memref<16x1024xf32, #tpu.memory_space<hbm>>) target_semaphore(%arg15 : memref<!tpu.dma_semaphore, #tpu.memory_space<semaphore_mem>>)
    %dma_wait3A_142 = arith.constant 992 : i32
    %dma_wait3A_143 = tpu.memref_slice %arg5[%dma_wait3A_142] : memref<1024xi32, #tpu.memory_space<vmem>> -> memref<16xi32, #tpu.memory_space<vmem>>
    %dma_wait3A_144 = arith.constant 0 : i32
    %dma_wait3A_145 = arith.constant 0 : i32
    %dma_wait3A_146 = tpu.memref_slice %arg3[%dma_wait3A_144, %dma_wait3A_145] : memref<100000x1024xf32, #tpu.memory_space<hbm>> -> memref<100000x1024xf32, #tpu.memory_space<hbm>>
    tpu.wait_indirect_dma semaphore(%arg12 : memref<!tpu.dma_semaphore, #tpu.memory_space<semaphore_mem>>) src(%dma_wait3A_146 : memref<100000x1024xf32, #tpu.memory_space<hbm>>) dst(%arg8 : memref<16x1024xf32, #tpu.memory_space<vmem>>)
    %add3A_147 = arith.constant 976 : i32
    %add3A_148 = arith.addi %mul3A_2, %add3A_147 : i32
    %dma_wait3A_149 = arith.constant 0 : i32
    %dma_wait3A_150 = tpu.memref_slice %arg4[%add3A_148, %dma_wait3A_149] : memref<32768x1024xf32, #tpu.memory_space<hbm>> -> memref<16x1024xf32, #tpu.memory_space<hbm>>
    %dma_wait3A_151 = arith.constant 0 : i32
    %dma_wait3A_152 = tpu.memref_slice %arg4[%add3A_148, %dma_wait3A_151] : memref<32768x1024xf32, #tpu.memory_space<hbm>> -> memref<16x1024xf32, #tpu.memory_space<hbm>>
    tpu.wait_dma2 semaphore(%arg15 : memref<!tpu.dma_semaphore, #tpu.memory_space<semaphore_mem>>) src(%arg7 : memref<16x1024xf32, #tpu.memory_space<vmem>>) dst(%dma_wait3A_152 : memref<16x1024xf32, #tpu.memory_space<hbm>>)
    %add3A_153 = arith.constant 992 : i32
    %add3A_154 = arith.addi %mul3A_2, %add3A_153 : i32
    %dma_start3A_155 = arith.constant 0 : i32
    %dma_start3A_156 = tpu.memref_slice %arg4[%add3A_154, %dma_start3A_155] : memref<32768x1024xf32, #tpu.memory_space<hbm>> -> memref<16x1024xf32, #tpu.memory_space<hbm>>
    %dma_start3A_157 = arith.constant 0 : i32
    %dma_start3A_158 = tpu.memref_slice %arg4[%add3A_154, %dma_start3A_157] : memref<32768x1024xf32, #tpu.memory_space<hbm>> -> memref<16x1024xf32, #tpu.memory_space<hbm>>
    tpu.enqueue_dma source(%arg8 : memref<16x1024xf32, #tpu.memory_space<vmem>>) target(%dma_start3A_158 : memref<16x1024xf32, #tpu.memory_space<hbm>>) target_semaphore(%arg16 : memref<!tpu.dma_semaphore, #tpu.memory_space<semaphore_mem>>)
    %dma_wait3A_159 = arith.constant 1008 : i32
    %dma_wait3A_160 = tpu.memref_slice %arg5[%dma_wait3A_159] : memref<1024xi32, #tpu.memory_space<vmem>> -> memref<16xi32, #tpu.memory_space<vmem>>
    %dma_wait3A_161 = arith.constant 0 : i32
    %dma_wait3A_162 = arith.constant 0 : i32
    %dma_wait3A_163 = tpu.memref_slice %arg3[%dma_wait3A_161, %dma_wait3A_162] : memref<100000x1024xf32, #tpu.memory_space<hbm>> -> memref<100000x1024xf32, #tpu.memory_space<hbm>>
    tpu.wait_indirect_dma semaphore(%arg13 : memref<!tpu.dma_semaphore, #tpu.memory_space<semaphore_mem>>) src(%dma_wait3A_163 : memref<100000x1024xf32, #tpu.memory_space<hbm>>) dst(%arg9 : memref<16x1024xf32, #tpu.memory_space<vmem>>)
    %add3A_164 = arith.constant 992 : i32
    %add3A_165 = arith.addi %mul3A_2, %add3A_164 : i32
    %dma_wait3A_166 = arith.constant 0 : i32
    %dma_wait3A_167 = tpu.memref_slice %arg4[%add3A_165, %dma_wait3A_166] : memref<32768x1024xf32, #tpu.memory_space<hbm>> -> memref<16x1024xf32, #tpu.memory_space<hbm>>
    %dma_wait3A_168 = arith.constant 0 : i32
    %dma_wait3A_169 = tpu.memref_slice %arg4[%add3A_165, %dma_wait3A_168] : memref<32768x1024xf32, #tpu.memory_space<hbm>> -> memref<16x1024xf32, #tpu.memory_space<hbm>>
    tpu.wait_dma2 semaphore(%arg16 : memref<!tpu.dma_semaphore, #tpu.memory_space<semaphore_mem>>) src(%arg8 : memref<16x1024xf32, #tpu.memory_space<vmem>>) dst(%dma_wait3A_169 : memref<16x1024xf32, #tpu.memory_space<hbm>>)
    %add3A_170 = arith.constant 1008 : i32
    %add3A_171 = arith.addi %mul3A_2, %add3A_170 : i32
    %dma_start3A_172 = arith.constant 0 : i32
    %dma_start3A_173 = tpu.memref_slice %arg4[%add3A_171, %dma_start3A_172] : memref<32768x1024xf32, #tpu.memory_space<hbm>> -> memref<16x1024xf32, #tpu.memory_space<hbm>>
    %dma_start3A_174 = arith.constant 0 : i32
    %dma_start3A_175 = tpu.memref_slice %arg4[%add3A_171, %dma_start3A_174] : memref<32768x1024xf32, #tpu.memory_space<hbm>> -> memref<16x1024xf32, #tpu.memory_space<hbm>>
    tpu.enqueue_dma source(%arg9 : memref<16x1024xf32, #tpu.memory_space<vmem>>) target(%dma_start3A_175 : memref<16x1024xf32, #tpu.memory_space<hbm>>) target_semaphore(%arg17 : memref<!tpu.dma_semaphore, #tpu.memory_space<semaphore_mem>>)
    %add3A_176 = arith.constant 1008 : i32
    %add3A_177 = arith.addi %mul3A_2, %add3A_176 : i32
    %dma_wait3A_178 = arith.constant 0 : i32
    %dma_wait3A_179 = tpu.memref_slice %arg4[%add3A_177, %dma_wait3A_178] : memref<32768x1024xf32, #tpu.memory_space<hbm>> -> memref<16x1024xf32, #tpu.memory_space<hbm>>
    %dma_wait3A_180 = arith.constant 0 : i32
    %dma_wait3A_181 = tpu.memref_slice %arg4[%add3A_177, %dma_wait3A_180] : memref<32768x1024xf32, #tpu.memory_space<hbm>> -> memref<16x1024xf32, #tpu.memory_space<hbm>>
    tpu.wait_dma2 semaphore(%arg17 : memref<!tpu.dma_semaphore, #tpu.memory_space<semaphore_mem>>) src(%arg9 : memref<16x1024xf32, #tpu.memory_space<vmem>>) dst(%dma_wait3A_181 : memref<16x1024xf32, #tpu.memory_space<hbm>>)
    return
  }
}

</mosaic_0001>

<sc_bundles>
// kernel: kernel.3.cloned.1.call-start
scs
__scs_entry_jumppad:
0x0: {  	(pc) =	sbr.rel $0x88, $3  }
0x1: {  	(tag) =	ssettag $0x0;
	lr =	simm.s32 $0x1  }
0x2: {  	[smem:$0x3F9E] =	sst lr;
	_ =	strace $0xD0000000  }
0x3: {  	_ = 	snop  }
0x4: {  	_ = 	snop  }
0x5: {  	_ = 	snop  }
0x6: {  	_ = 	snop  }
0x7: {  	_ = 	snop  }
__scs_overlays_trampoline_lowered:
0x8: {  	[smem:$0x3FAD] =	sst s0  }
0x9: {  	[smem:$0x3FAE] =	sst s1  }
0xa: {  	[smem:$0x3FAF] =	sst s2  }
0xb: {  	[smem:$0x3FB0] =	sst s3  }
0xc: {  	[smem:$0x3FB1] =	sst s4  }
0xd: {  	[smem:$0x3FB2] =	sst s5  }
0xe: {  	[smem:$0x3FB3] =	sst s6  }
0xf: {  	[smem:$0x3FB4] =	sst s7  }
0x10: {  	[smem:$0x3FB5] =	sst s8  }
0x11: {  	[smem:$0x3FB6] =	sst s9;
	s0 =	simm.s32 @!p0 $0x0  }
0x12: {  	s1 =	sld [smem:$0x3F9C];
	s0 =	simm.s32 @p0 $0x1  }
0x13: {  	[smem:$0x3FB7] =	sst s0;
	s0 =	simm.s32 @!p1 $0x0  }
0x14: {  	s2 =	sld [smem:$0x3F9B];
	s0 =	simm.s32 @p1 $0x1  }
0x15: {  	[smem:$0x3FB8] =	sst s0;
	s0 =	simm.s32 @!p2 $0x0  }
0x16: {  	s3 =	sld [smem:$0x3FDB];
	s0 =	simm.s32 @p2 $0x1  }
0x17: {  	s4 =	simm.s32 $0x1BF5;
	[smem:$0x3FBA] =	sst s0  }
0x18: {  	s0 =	sld [smem:$0x3F9D];
	_ =	swait.ge [sflag:s4], $0x0  }
0x19: {  	s7 =	sld [smem:$0x3F9E]  }
0x1a: {  	s8 =	sadd.s32 $0xFFFFE003, lr  }
0x1b: {  	s9 =	sadd.s32 $0xFFFFFEF7, lr;
	s5 =	simm.s32 $0xFFFFFFFF;
	p2 =	slt.u32 s8, $0xFFFFF086  }
0x1c: {  	p1 =	slt.u32 s9, $0xF7A;
	s5 =	simm.s32 @!p2 $0x0  }
0x1d: {  	s5 =	simm.s32 @p1 $0x1;
	p0 =	seq.s32 s7, s2  }
0x1e: {  	s7 =	smul.u32 @!p0 $0xF7A, s2;
	p2 =	seq.s32 @!p0 s5, $0x0  }
0x1f: {  	s9 =	smul.u32 $0xF7A, s1;
	s8 =	simm.s32 @!p0 $0x1BF5;
	p2 =	por !p2, p0  }
0x20: {  	[sflag:s8] =	ssyncset.s32 @!p0 $0xFFFFF086;
	s6 =	sadd.s32 @!p0 s3, s7;
	s7 =	simm.s32 @!p0 $0x108  }
0x21: {  	s3 =	sadd.s32 s3, s9;
	s6 =	sadd.s32 @!p0 $0x88, s6;
	s7 =	simm.s32 @p2 $0x1082  }
0x22: {  	[simem:s7], [sflag:s8] =	dma.local @!p0 [hbm:s6], $0xF7A  }
0x23: {  	s9 =	sor.u32 $0xD0000000, s2;
	s6 =	simm.s32 $0x108;
	_ =	swait.ge @!p0 [sflag:s8], $0x0  }
0x24: {  	s3 =	sadd.s32 $0x88, s3;
	s6 =	simm.s32 @!p1 $0x1082;
	[sflag:s4] =	ssyncset.s32 $0xFFFFF086  }
0x25: {  	[simem:s6], [sflag:s4] =	dma.local [hbm:s3], $0xF7A  }
0x26: {  	[smem:$0x3F9E] =	sst s1;
	(tag) =	ssettag s2;
	_ =	strace s9  }
0x27: {  	s1 =	sld [smem:$0x3FAE]  }
0x28: {  	s2 =	sld [smem:$0x3FAF]  }
0x29: {  	s4 =	sld [smem:$0x3FB1]  }
0x2a: {  	p0 =	seq.s32 s5, $0x0;
	s5 =	sld [smem:$0x3FB2]  }
0x2b: {  	s6 =	sld [smem:$0x3FB3]  }
0x2c: {  	s7 =	sld [smem:$0x3FB4]  }
0x2d: {  	s3 =	simm.s32 $0x108;
	s8 =	sld [smem:$0x3FB5]  }
0x2e: {  	s3 =	simm.s32 @!p0 $0x1082;
	s9 =	sld [smem:$0x3FB6]  }
0x2f: {  	lr =	sadd.s32 s0, s3;
	s0 =	sld [smem:$0x3FAD]  }
0x30: {  	s3 =	sld [smem:$0x3FB0]  }
0x31: {  	[smem:$0x3FB9] =	sst s10  }
0x32: {  	s10 =	sld [smem:$0x3FB7];
	_ =	sdelay $0x3  }
0x33: {  	p0 =	seq.s32 s10, $0x1;
	s10 =	sld [smem:$0x3FB9];
	_ =	sdelay $0x3  }
0x34: {  	[smem:$0x3FB9] =	sst s10  }
0x35: {  	s10 =	sld [smem:$0x3FB8];
	_ =	sdelay $0x3  }
0x36: {  	p1 =	seq.s32 s10, $0x1;
	s10 =	sld [smem:$0x3FB9];
	_ =	sdelay $0x3  }
0x37: {  	[smem:$0x3FB9] =	sst s10  }
0x38: {  	s10 =	sld [smem:$0x3FBA]  }
0x39: {  	_ = 	snop;
	(pc) =	sbr.ind lr, $3  }
0x3a: {  	_ = 	snop  }
0x3b: {  	_ = 	snop  }
0x3c: {  	p2 =	seq.s32 s10, $0x1;
	s10 =	sld [smem:$0x3FB9]  }
0x3d: {  	_ =	shalt  }
0x3e: {  	_ =	shalt  }
0x3f: {  	_ =	shalt  }
0x40: {  	_ =	shalt  }
0x41: {  	_ =	shalt  }
0x42: {  	_ =	shalt  }
0x43: {  	_ =	shalt  }
0x44: {  	_ =	shalt  }
0x45: {  	_ =	shalt  }
0x46: {  	_ =	shalt  }
0x47: {  	_ =	shalt  }
0x48: {  	_ =	shalt  }
0x49: {  	_ =	shalt  }
0x4a: {  	_ =	shalt  }
0x4b: {  	_ =	shalt  }
0x4c: {  	_ =	shalt  }
0x4d: {  	_ =	shalt  }
0x4e: {  	_ =	shalt  }
0x4f: {  	_ =	shalt  }
0x50: {  	_ =	shalt  }
0x51: {  	_ =	shalt  }
0x52: {  	_ =	shalt  }
0x53: {  	_ =	shalt  }
0x54: {  	_ =	shalt  }
0x55: {  	_ =	shalt  }
0x56: {  	_ =	shalt  }
0x57: {  	_ =	shalt  }
0x58: {  	_ =	shalt  }
0x59: {  	_ =	shalt  }
0x5a: {  	_ =	shalt  }
0x5b: {  	_ =	shalt  }
0x5c: {  	_ =	shalt  }
0x5d: {  	_ =	shalt  }
0x5e: {  	_ =	shalt  }
0x5f: {  	_ =	shalt  }
0x60: {  	_ =	shalt  }
0x61: {  	_ =	shalt  }
0x62: {  	_ =	shalt  }
0x63: {  	_ =	shalt  }
0x64: {  	_ =	shalt  }
0x65: {  	_ =	shalt  }
0x66: {  	_ =	shalt  }
0x67: {  	_ =	shalt  }
0x68: {  	_ =	shalt  }
0x69: {  	_ =	shalt  }
0x6a: {  	_ =	shalt  }
0x6b: {  	_ =	shalt  }
0x6c: {  	_ =	shalt  }
0x6d: {  	_ =	shalt  }
0x6e: {  	_ =	shalt  }
0x6f: {  	_ =	shalt  }
0x70: {  	_ =	shalt  }
0x71: {  	_ =	shalt  }
0x72: {  	_ =	shalt  }
0x73: {  	_ =	shalt  }
0x74: {  	_ =	shalt  }
0x75: {  	_ =	shalt  }
0x76: {  	_ =	shalt  }
0x77: {  	_ =	shalt  }
0x78: {  	_ =	shalt  }
0x79: {  	_ =	shalt  }
0x7a: {  	_ =	shalt  }
0x7b: {  	_ =	shalt  }
0x7c: {  	_ =	shalt  }
0x7d: {  	_ =	shalt  }
0x7e: {  	_ =	shalt  }
0x7f: {  	_ =	shalt  }
0x80: {  	_ =	shalt  }
0x81: {  	_ =	shalt  }
0x82: {  	_ =	shalt  }
0x83: {  	_ =	shalt  }
0x84: {  	_ =	shalt  }
0x85: {  	_ =	shalt  }
0x86: {  	_ =	shalt  }
0x87: {  	_ =	shalt  }
.Lfunc_end0:
.L_simem_size_0:
called_computation_lowered:
.L_overlay_start_0:
0x88: {  	s2 =	sld [smem:$0x3FD9]  }
0x89: {  	s3 =	sld [smem:$0x3FFE];
	_ =	sdelay $0x1  }
0x8a: {  	s1 =	srdreg.scid  }
0x8b: {  	s0 =	sand.u32 $0x1, s1  }
0x8c: {  	s15 =	sshll.u32 s0, $0xA;
	s2 =	sadd.s32 s3, s2  }
0x8d: {  	s2 =	sadd.s32 s2, s15  }
0x8e: {  	[smem:$0x3FC5] =	sst s2  }
0x8f: {  	_ = 	snop  }
0x90: {  	s2 =	sld [smem:$0x3FD0];
	_ =	sdelay $0x2  }
0x91: {  	s4 =	simm.s32 $0xA;
	s5 =	simm.s32 $0x10;
	s16 =	sld [smem:$0x3FC7]  }
0x92: {  	[smem:s5], [sflag:s4] =	dma.local [hbm:s2], $0x1  }
0x93: {  	_ =	swait.eq [sflag:s4], $0x1  }
0x94: {  	[sflag:s4] =	ssyncset.done $0x0  }
0x95: {  	s17 =	sld [smem:$0x10];
	[sflag:s4] =	ssyncadd.s32 $0xFFFFFFFF  }
0x96: {  	s18 =	sld [smem:$0x11];
	(tm) =	ssettm $0x1  }
0x97: {  	s19 =	sld [smem:$0x3FFB];
	_ =	sdelay $0x3  }
0x98: {  	_ =	strace s19  }
0x99: {  	s5 =	sld [smem:$0x3FFC];
	_ =	sdelay $0x3  }
0x9a: {  	_ =	strace s5  }
0x9b: {  	s5 =	sld [smem:$0x3FFD];
	_ =	sdelay $0x3  }
0x9c: {  	_ =	strace s5  }
0x9d: {  	_ =	strace $0x8FFFFFFF  }
0x9e: {  	s20 =	sld [smem:$0x3FDB];
	_ =	sdelay $0x1  }
0x9f: {  	s6 =	simm.s32 $_scs_section_size  }
0xa0: {  	s7 =	simm.s32 $_size__tile_overlayer_lowered;
	s8 =	simm.s32 $_tile_overlayer_lowered  }
0xa1: {  	s23 =	simm.s32 $0x1BFF;
	s22 =	sshll.u32 s8, $0x1;
	s5 =	sadd.s32 s6, s20  }
0xa2: {  	s9 =	simm.s32 $0x0;
	s21 =	sshll.u32 s7, $0x1;
	s7 =	sadd.s32 s22, s5  }
0xa3: {  	[timem:s9], [sflag:s23] =	dma.local [hbm:s7], s21  }
0xa4: {  	_ =	swait.ge [sflag:s23], s21  }
0xa5: {  	s6 =	ssub.s32 $0x0, s21;
	[sflag:s23] =	ssyncset.done $0x0  }
0xa6: {  	[sflag:s23] =	ssyncadd.s32 s6;
	_ =	sdelay $0x1  }
0xa7: {  	s24 =	simm.s32 $0x1B8B  }
0xa8: {  	_ =	swait.ge [sflag:s24], $0x1  }
0xa9: {  	[sflag:s24] =	ssyncset.done $0x0  }
0xaa: {  	s25 =	simm.s32 $0x1B8E;
	[sflag:s24] =	ssyncadd.s32 $0xFFFFFFFF  }
0xab: {  	s26 =	simm.s32 $execute0_lowered;
	[smem:$0x3FD2] =	sst s25  }
0xac: {  	s6 =	sshll.u32 s26, $0x1;
	_ =	strace $0x80000046;
	[dreg:$0x1] =	wrdreg $0xFFFFFFFF  }
0xad: {  	s28 =	simm.s32 $_size_execute0_lowered;
	s5 =	sadd.s32 s5, s6;
	[dreg:$0x0] =	wrdreg $0x0  }
0xae: {  	s6 =	sshll.u32 s28, $0x1;
	[dreg:$0x2] =	wrdreg s5  }
0xaf: {  	[dreg:$0x3] =	wrdreg s6  }
0xb0: {  	[dreg:$0x4] =	wrdreg $0xC0  }
0xb1: {  	_ =	task [dreg:s9], $0x5FFFF  }
0xb2: {  	[dreg:$0x1] =	wrdreg $0xFFFFFFFF  }
0xb3: {  	[dreg:$0x0] =	wrdreg $0x60  }
0xb4: {  	[dreg:$0x2] =	wrdreg s18  }
0xb5: {  	[dreg:$0x3] =	wrdreg s16  }
0xb6: {  	[dreg:$0x4] =	wrdreg s17  }
0xb7: {  	[dreg:$0x5] =	wrdreg $0x9  }
0xb8: {  	_ =	task.clear_ibuf [dreg:s9], $0x6FFFF;
	_ =	strace $0x90000046  }
0xb9: {  	s29 =	simm.s32 $0x9;
	_ =	strace $0x80000048  }
0xba: {  	_ =	swait.ge [sflag:s29], $0x1  }
0xbb: {  	[sflag:s29] =	ssyncadd.s32 $0xFFFFFFFF  }
0xbc: {  	_ =	strace $0x90000048  }
0xbd: {  	_ =	sfence  }
0xbe: {  	s30 =	sld [smem:$0x0];
	_ =	sdelay $0x2  }
0xbf: {  	s31 =	sshll.u32 s1, $0xD;
	s1 =	sshrl.u32 s1, $0x2  }
0xc0: {  	s3 =	sand.u32 $0x4000, s31;
	s1 =	sadd.s32 s1, s30  }
0xc1: {  	s0 =	sor.u32 s3, s0;
	s1 =	sshll.u32 s1, $0x11  }
0xc2: {  	s0 =	sor.u32 s1, s0  }
0xc3: {  	s0 =	sadd.s32 $0x8F2B, s0  }
0xc4: {  	[sflag:s0] =	ssyncadd.remote.s32 $0x1  }
0xc5: {  	_ =	sfence.sel $0xFFFF  }
0xc6: {  	[dreg:$0x0] =	wrdreg $0xFFFFFFFF;
	(pc) =	sbr.abs _section_cstart, $3  }
0xc7: {  	[dreg:$0x1] =	wrdreg $0xFFFFFFFF  }
0xc8: {  	_ =	task.clear_ibuf [dreg:s9], $0x2FFFF;
	_ =	strace $0x9FFFFFFF  }
0xc9: {  	(tm) =	ssettm $0x7FFFFFFF  }
tec
execute0_lowered:
.L_overlay_start_1:
0x0: {  	(tag) =	ssettag $0x1  }
0x1: {  	s0 =	rddreg [dreg:$0x0]  }
0x2: {  	s1 =	rddreg [dreg:$0x1]  }
0x3: {  	s2 =	rddreg [dreg:$0x2];
	s3 =	simm.s32 $0x0;
	s4 =	srdreg.scid  }
0x4: {  	s10 =	stileid.u32;
	s11 =	simm.s32 $0xC00;
	s12 =	simm.s32 $0x1400  }
0x5: {  	s13 =	simm.s32 $0x1C00;
	s14 =	simm.s32 $0x2400;
	s15 =	simm.s32 $0x2C00  }
0x6: {  	s28 =	simm.s32 $0x2;
	s29 =	simm.s32 $0x5;
	s30 =	simm.s32 $0x3  }
0x7: {  	s31 =	simm.s32 $0x6;
	[smem:$0x7FF] =	sst s3;
	s4 =	sand.u32 $0x1, s4  }
0x8: {  	s6 =	sshll.u32 s10, $0xB;
	s20 =	sshll.u32 s10, $0x12;
	s5 =	ssub.s32 $0x2, s4  }
0x9: {  	s7 =	sshll.u32 s4, $0xA;
	_ =	strace $0x80000047;
	s22 =	sshll.u32 s4, $0x11  }
0xa: {  	s4 =	simm.s32 $0x8;
	s8 =	sshrl.u32 s5, $0x1;
	s6 =	sor.u32 s7, s6  }
0xb: {  	s7 =	sadd.s32 $0x200, s1;
	s9 =	ssub.s32 s5, s8;
	s16 =	sshrl.u32 s6, $0x3  }
0xc: {  	s6 =	sshll.u32 s6, $0x7;
	s5 =	sadd.s32 $0x100, s1;
	s0 =	sadd.s32 s0, s16  }
0xd: {  	s8 =	sadd.s32 $0x300, s1;
	s6 =	sadd.s32 s2, s6;
	[dreg:$0x5] =	wrdreg s0  }
0xe: {  	s26 =	smax.u32 s9, $0x1;
	s16 =	simm.s32 $0x3400;
	[dreg:$0x6] =	wrdreg s6  }
0xf: {  	s9 =	simm.s32 $0x0;
	s17 =	sadd.s32 $0x800, s6;
	[dreg:$0xe] =	wrdreg s26  }
0x10: {  	s18 =	sadd.s32 $0x1000, s6;
	s19 =	sadd.s32 $0x1800, s6;
	[dreg:$0x7] =	wrdreg s17  }
0x11: {  	s21 =	sadd.s32 $0x1E000, s6;
	s0 =	sadd.s32 s20, s2;
	[dreg:$0x8] =	wrdreg s18  }
0x12: {  	s23 =	sadd.s32 $0x1E800, s6;
	s24 =	sadd.s32 $0x1F000, s6;
	[dreg:$0x9] =	wrdreg s19  }
0x13: {  	s25 =	sadd.s32 $0x1F800, s6;
	s20 =	simm.s32 $0x4C00;
	[dreg:$0xa] =	wrdreg s21  }
0x14: {  	s26 =	simm.s32 $0x7C00;
	s6 =	simm.s32 $0x1;
	[dreg:$0xb] =	wrdreg s23  }
0x15: {  	s2 =	simm.s32 $0x7;
	[dreg:$0xc] =	wrdreg s24;
	s0 =	sadd.s32 s22, s0  }
0x16: {  	v2 =	vlaneseq.u32;
	[dreg:$0xd] =	wrdreg s25;
	s19 =	simm.s32 $0x3C00;
	s21 =	simm.s32 $0x5400  }
0x17: {  	vm0 =	vmmov $0xffff;
	v1 =	vshrl.u32 v2, $0x3;
	s22 =	simm.s32 $0x5C00;
	s23 =	simm.s32 $0x6400;
	s17 =	simm.s32 $0x6C00  }
0x18: {  	v0 =	vand.u32 $0x7, v2;
	v2 =	vor.u32 $0x8, v2;
	v1 =	vmul.u32 $0x8, v1;
	s25 =	simm.s32 $0x7400;
	[dreg:$0x4] =	wrdreg s0;
	s0 =	simm.s32 $0x4  }
.LBB2_1:
0x19: {  	[dreg:$0xf] =	wrdreg s9  }
0x1a: {  	s10 =	rddreg [dreg:$0x5];
	s9 =	simm.s32 $0x9  }
0x1b: {  	[tilespmem:s3], [sflag:$0x9] =	stream.linear.gather [hbm4b:s10+s3], $0x400, $0x38;
	[tilespmem:$0x10400] =	vst v63  }
0x1c: {  	_ =	swait.ge [sflag:s9], $0x400  }
0x1d: {  	[sflag:s9] =	ssyncset.done $0x0  }
0x1e: {  	[sflag:s9] =	ssyncadd.s32 $0xFFFFFC00  }
0x1f: {  	v3 =	vld [tilespmem:$0x0];
	_ =	sdelay $0x4  }
0x20: {  	v4 =	vshll.u32 v3, $0x3  }
0x21: {  	v3 =	vand.u32 $0x7, v3;
	v4 =	vand.u32 $0xFFFFFFC0, v4  }
0x22: {  	v3 =	vor.u32 v3, v4  }
0x23: {  	v4 =	vperm.xlane v3, v0;
	_ =	sdelay $0x1  }
0x24: {  	v4 =	vadd.s32 v1, v4;
	_ =	sdelay $0x3  }
0x25: {  	s18 =	simm.s32 $0x400  }
0x26: {  	[tilespmem:s18], [sflag:$0x1] =	stream.indirect_vreg.gather [hbm4b:s1+s3], $0x80, v4, vm0, $0xb8;
	[tilespmem:$0x10400] =	vst v63  }
0x27: {  	v3 =	vperm.xlane v3, v2  }
0x28: {  	[tilespmem:s11], [sflag:$0x1] =	stream.indirect_vreg.gather [hbm4b:s5+s3], $0x80, v4, vm0, $0xb8;
	[tilespmem:$0x10400] =	vst v63  }
0x29: {  	v3 =	vadd.s32 v1, v3  }
0x2a: {  	[tilespmem:s12], [sflag:$0x1] =	stream.indirect_vreg.gather [hbm4b:s7+s3], $0x80, v4, vm0, $0xb8;
	[tilespmem:$0x10400] =	vst v63  }
0x2b: {  	_ = 	snop  }
0x2c: {  	[tilespmem:s13], [sflag:$0x1] =	stream.indirect_vreg.gather [hbm4b:s8+s3], $0x80, v4, vm0, $0xb8;
	[tilespmem:$0x10400] =	vst v63  }
0x2d: {  	_ = 	snop  }
0x2e: {  	[tilespmem:s14], [sflag:$0x1] =	stream.indirect_vreg.gather [hbm4b:s1+s3], $0x80, v3, vm0, $0xb8;
	[tilespmem:$0x10400] =	vst v63  }
0x2f: {  	_ = 	snop  }
0x30: {  	[tilespmem:s15], [sflag:$0x1] =	stream.indirect_vreg.gather [hbm4b:s5+s3], $0x80, v3, vm0, $0xb8;
	[tilespmem:$0x10400] =	vst v63  }
0x31: {  	_ = 	snop  }
0x32: {  	[tilespmem:s16], [sflag:$0x1] =	stream.indirect_vreg.gather [hbm4b:s7+s3], $0x80, v3, vm0, $0xb8;
	[tilespmem:$0x10400] =	vst v63  }
0x33: {  	_ = 	snop  }
0x34: {  	[tilespmem:s19], [sflag:$0x1] =	stream.indirect_vreg.gather [hbm4b:s8+s3], $0x80, v3, vm0, $0xb8;
	[tilespmem:$0x10400] =	vst v63  }
0x35: {  	v3 =	vld [tilespmem:$0x10];
	_ =	sdelay $0x4  }
0x36: {  	v58 =	vshll.u32 v3, $0x3  }
0x37: {  	v3 =	vand.u32 $0x7, v3;
	v4 =	vand.u32 $0xFFFFFFC0, v58  }
0x38: {  	v3 =	vor.u32 v3, v4  }
0x39: {  	v4 =	vperm.xlane v3, v0;
	_ =	sdelay $0x1  }
0x3a: {  	v4 =	vadd.s32 v1, v4;
	_ =	sdelay $0x3  }
0x3b: {  	s9 =	simm.s32 $0x4400  }
0x3c: {  	[tilespmem:s9], [sflag:$0x2] =	stream.indirect_vreg.gather [hbm4b:s1+s3], $0x80, v4, vm0, $0xb8;
	[tilespmem:$0x10400] =	vst v63  }
0x3d: {  	v3 =	vperm.xlane v3, v2  }
0x3e: {  	[tilespmem:s20], [sflag:$0x2] =	stream.indirect_vreg.gather [hbm4b:s5+s3], $0x80, v4, vm0, $0xb8;
	[tilespmem:$0x10400] =	vst v63  }
0x3f: {  	v3 =	vadd.s32 v1, v3  }
0x40: {  	[tilespmem:s21], [sflag:$0x2] =	stream.indirect_vreg.gather [hbm4b:s7+s3], $0x80, v4, vm0, $0xb8;
	[tilespmem:$0x10400] =	vst v63  }
0x41: {  	_ = 	snop  }
0x42: {  	[tilespmem:s22], [sflag:$0x2] =	stream.indirect_vreg.gather [hbm4b:s8+s3], $0x80, v4, vm0, $0xb8;
	[tilespmem:$0x10400] =	vst v63  }
0x43: {  	_ = 	snop  }
0x44: {  	[tilespmem:s23], [sflag:$0x2] =	stream.indirect_vreg.gather [hbm4b:s1+s3], $0x80, v3, vm0, $0xb8;
	[tilespmem:$0x10400] =	vst v63  }
0x45: {  	_ = 	snop  }
0x46: {  	[tilespmem:s17], [sflag:$0x2] =	stream.indirect_vreg.gather [hbm4b:s5+s3], $0x80, v3, vm0, $0xb8;
	[tilespmem:$0x10400] =	vst v63  }
0x47: {  	_ = 	snop  }
0x48: {  	[tilespmem:s25], [sflag:$0x2] =	stream.indirect_vreg.gather [hbm4b:s7+s3], $0x80, v3, vm0, $0xb8;
	[tilespmem:$0x10400] =	vst v63  }
0x49: {  	_ = 	snop  }
0x4a: {  	[tilespmem:s26], [sflag:$0x2] =	stream.indirect_vreg.gather [hbm4b:s8+s3], $0x80, v3, vm0, $0xb8;
	[tilespmem:$0x10400] =	vst v63  }
0x4b: {  	v3 =	vld [tilespmem:$0x20];
	_ =	sdelay $0x4  }
0x4c: {  	v59 =	vshll.u32 v3, $0x3  }
0x4d: {  	v3 =	vand.u32 $0x7, v3;
	v4 =	vand.u32 $0xFFFFFFC0, v59  }
0x4e: {  	v3 =	vor.u32 v3, v4  }
0x4f: {  	v4 =	vperm.xlane v3, v0;
	_ =	sdelay $0x1  }
0x50: {  	v4 =	vadd.s32 v1, v4;
	_ =	sdelay $0x3  }
0x51: {  	s24 =	simm.s32 $0x8400  }
0x52: {  	[tilespmem:s24], [sflag:$0x3] =	stream.indirect_vreg.gather [hbm4b:s1+s3], $0x80, v4, vm0, $0xb8;
	[tilespmem:$0x10400] =	vst v63  }
0x53: {  	s10 =	simm.s32 $0x8C00;
	v3 =	vperm.xlane v3, v2  }
0x54: {  	[tilespmem:s10], [sflag:$0x3] =	stream.indirect_vreg.gather [hbm4b:s5+s3], $0x80, v4, vm0, $0xb8;
	[tilespmem:$0x10400] =	vst v63  }
0x55: {  	v3 =	vadd.s32 v1, v3;
	s10 =	simm.s32 $0x9400  }
0x56: {  	[tilespmem:s10], [sflag:$0x3] =	stream.indirect_vreg.gather [hbm4b:s7+s3], $0x80, v4, vm0, $0xb8;
	[tilespmem:$0x10400] =	vst v63  }
0x57: {  	s10 =	simm.s32 $0x9C00  }
0x58: {  	[tilespmem:s10], [sflag:$0x3] =	stream.indirect_vreg.gather [hbm4b:s8+s3], $0x80, v4, vm0, $0xb8;
	[tilespmem:$0x10400] =	vst v63  }
0x59: {  	s10 =	simm.s32 $0xA400  }
0x5a: {  	[tilespmem:s10], [sflag:$0x3] =	stream.indirect_vreg.gather [hbm4b:s1+s3], $0x80, v3, vm0, $0xb8;
	[tilespmem:$0x10400] =	vst v63  }
0x5b: {  	s10 =	simm.s32 $0xAC00  }
0x5c: {  	[tilespmem:s10], [sflag:$0x3] =	stream.indirect_vreg.gather [hbm4b:s5+s3], $0x80, v3, vm0, $0xb8;
	[tilespmem:$0x10400] =	vst v63  }
0x5d: {  	s10 =	simm.s32 $0xB400  }
0x5e: {  	[tilespmem:s10], [sflag:$0x3] =	stream.indirect_vreg.gather [hbm4b:s7+s3], $0x80, v3, vm0, $0xb8;
	[tilespmem:$0x10400] =	vst v63  }
0x5f: {  	s10 =	simm.s32 $0xBC00  }
0x60: {  	[tilespmem:s10], [sflag:$0x3] =	stream.indirect_vreg.gather [hbm4b:s8+s3], $0x80, v3, vm0, $0xb8;
	[tilespmem:$0x10400] =	vst v63  }
0x61: {  	_ =	swait.ge [sflag:s6], $0x4000  }
0x62: {  	[sflag:s6] =	ssyncset.done $0x0  }
0x63: {  	[sflag:s6] =	ssyncadd.s32 $0xFFFFC000  }
0x64: {  	v3 =	vld [tilespmem:$0x30];
	_ =	sdelay $0x4  }
0x65: {  	v60 =	vshll.u32 v3, $0x3  }
0x66: {  	v3 =	vand.u32 $0x7, v3;
	v4 =	vand.u32 $0xFFFFFFC0, v60  }
0x67: {  	v3 =	vor.u32 v3, v4  }
0x68: {  	v4 =	vperm.xlane v3, v0;
	_ =	sdelay $0x1  }
0x69: {  	v4 =	vadd.s32 v1, v4;
	_ =	sdelay $0x3  }
0x6a: {  	s10 =	simm.s32 $0xC400  }
0x6b: {  	[tilespmem:s10], [sflag:$0x4] =	stream.indirect_vreg.gather [hbm4b:s1+s3], $0x80, v4, vm0, $0xb8;
	[tilespmem:$0x10400] =	vst v63  }
0x6c: {  	v3 =	vperm.xlane v3, v2;
	s10 =	simm.s32 $0xCC00  }
0x6d: {  	[tilespmem:s10], [sflag:$0x4] =	stream.indirect_vreg.gather [hbm4b:s5+s3], $0x80, v4, vm0, $0xb8;
	[tilespmem:$0x10400] =	vst v63  }
0x6e: {  	v3 =	vadd.s32 v1, v3;
	s10 =	simm.s32 $0xD400  }
0x6f: {  	[tilespmem:s10], [sflag:$0x4] =	stream.indirect_vreg.gather [hbm4b:s7+s3], $0x80, v4, vm0, $0xb8;
	[tilespmem:$0x10400] =	vst v63  }
0x70: {  	s10 =	simm.s32 $0xDC00  }
0x71: {  	[tilespmem:s10], [sflag:$0x4] =	stream.indirect_vreg.gather [hbm4b:s8+s3], $0x80, v4, vm0, $0xb8;
	[tilespmem:$0x10400] =	vst v63  }
0x72: {  	s10 =	simm.s32 $0xE400  }
0x73: {  	[tilespmem:s10], [sflag:$0x4] =	stream.indirect_vreg.gather [hbm4b:s1+s3], $0x80, v3, vm0, $0xb8;
	[tilespmem:$0x10400] =	vst v63  }
0x74: {  	s10 =	simm.s32 $0xEC00  }
0x75: {  	[tilespmem:s10], [sflag:$0x4] =	stream.indirect_vreg.gather [hbm4b:s5+s3], $0x80, v3, vm0, $0xb8;
	[tilespmem:$0x10400] =	vst v63  }
0x76: {  	s10 =	simm.s32 $0xF400  }
0x77: {  	[tilespmem:s10], [sflag:$0x4] =	stream.indirect_vreg.gather [hbm4b:s7+s3], $0x80, v3, vm0, $0xb8;
	[tilespmem:$0x10400] =	vst v63  }
0x78: {  	s10 =	simm.s32 $0xFC00  }
0x79: {  	[tilespmem:s10], [sflag:$0x4] =	stream.indirect_vreg.gather [hbm4b:s8+s3], $0x80, v3, vm0, $0xb8;
	[tilespmem:$0x10400] =	vst v63  }
0x7a: {  	s10 =	rddreg [dreg:$0x6]  }
0x7b: {  	[hbm4b:s10+s3] =	stream.linear.scatter [tilespmem:s18], [sflag:$0x5], $0x4000, $0x38;
	[tilespmem:$0x10400] =	vst v63  }
0x7c: {  	_ =	swait.ge [sflag:s28], $0x4000  }
0x7d: {  	[sflag:s28] =	ssyncset.done $0x0  }
0x7e: {  	[sflag:s28] =	ssyncadd.s32 $0xFFFFC000  }
0x7f: {  	_ =	swait.ge [sflag:s29], $0x4000  }
0x80: {  	[sflag:s29] =	ssyncset.done $0x0  }
0x81: {  	[sflag:s29] =	ssyncadd.s32 $0xFFFFC000  }
0x82: {  	v3 =	vld [tilespmem:$0x40];
	_ =	sdelay $0x4  }
0x83: {  	v61 =	vshll.u32 v3, $0x3  }
0x84: {  	v3 =	vand.u32 $0x7, v3;
	v4 =	vand.u32 $0xFFFFFFC0, v61  }
0x85: {  	v3 =	vor.u32 v3, v4  }
0x86: {  	v4 =	vperm.xlane v3, v0;
	_ =	sdelay $0x1  }
0x87: {  	v4 =	vadd.s32 v1, v4;
	_ =	sdelay $0x4  }
0x88: {  	[tilespmem:s18], [sflag:$0x1] =	stream.indirect_vreg.gather [hbm4b:s1+s3], $0x80, v4, vm0, $0xb8;
	[tilespmem:$0x10400] =	vst v63  }
0x89: {  	v3 =	vperm.xlane v3, v2  }
0x8a: {  	[tilespmem:s11], [sflag:$0x1] =	stream.indirect_vreg.gather [hbm4b:s5+s3], $0x80, v4, vm0, $0xb8;
	[tilespmem:$0x10400] =	vst v63  }
0x8b: {  	v3 =	vadd.s32 v1, v3  }
0x8c: {  	[tilespmem:s12], [sflag:$0x1] =	stream.indirect_vreg.gather [hbm4b:s7+s3], $0x80, v4, vm0, $0xb8;
	[tilespmem:$0x10400] =	vst v63  }
0x8d: {  	_ = 	snop  }
0x8e: {  	[tilespmem:s13], [sflag:$0x1] =	stream.indirect_vreg.gather [hbm4b:s8+s3], $0x80, v4, vm0, $0xb8;
	[tilespmem:$0x10400] =	vst v63  }
0x8f: {  	_ = 	snop  }
0x90: {  	[tilespmem:s14], [sflag:$0x1] =	stream.indirect_vreg.gather [hbm4b:s1+s3], $0x80, v3, vm0, $0xb8;
	[tilespmem:$0x10400] =	vst v63  }
0x91: {  	_ = 	snop  }
0x92: {  	[tilespmem:s15], [sflag:$0x1] =	stream.indirect_vreg.gather [hbm4b:s5+s3], $0x80, v3, vm0, $0xb8;
	[tilespmem:$0x10400] =	vst v63  }
0x93: {  	_ = 	snop  }
0x94: {  	[tilespmem:s16], [sflag:$0x1] =	stream.indirect_vreg.gather [hbm4b:s7+s3], $0x80, v3, vm0, $0xb8;
	[tilespmem:$0x10400] =	vst v63  }
0x95: {  	_ = 	snop  }
0x96: {  	[tilespmem:s19], [sflag:$0x1] =	stream.indirect_vreg.gather [hbm4b:s8+s3], $0x80, v3, vm0, $0xb8;
	[tilespmem:$0x10400] =	vst v63  }
0x97: {  	s16 =	rddreg [dreg:$0x7]  }
0x98: {  	[hbm4b:s16+s3] =	stream.linear.scatter [tilespmem:s9], [sflag:$0x6], $0x4000, $0x38;
	[tilespmem:$0x10400] =	vst v63  }
0x99: {  	_ =	swait.ge [sflag:s30], $0x4000  }
0x9a: {  	[sflag:s30] =	ssyncset.done $0x0  }
0x9b: {  	[sflag:s30] =	ssyncadd.s32 $0xFFFFC000  }
0x9c: {  	_ =	swait.ge [sflag:s31], $0x4000  }
0x9d: {  	[sflag:s31] =	ssyncset.done $0x0  }
0x9e: {  	[sflag:s31] =	ssyncadd.s32 $0xFFFFC000  }
0x9f: {  	v3 =	vld [tilespmem:$0x50];
	_ =	sdelay $0x4  }
0xa0: {  	v62 =	vshll.u32 v3, $0x3  }
0xa1: {  	v3 =	vand.u32 $0x7, v3;
	v4 =	vand.u32 $0xFFFFFFC0, v62  }
0xa2: {  	v3 =	vor.u32 v3, v4  }
0xa3: {  	v4 =	vperm.xlane v3, v0;
	_ =	sdelay $0x1  }
0xa4: {  	v4 =	vadd.s32 v1, v4;
	_ =	sdelay $0x4  }
0xa5: {  	[tilespmem:s9], [sflag:$0x2] =	stream.indirect_vreg.gather [hbm4b:s1+s3], $0x80, v4, vm0, $0xb8;
	[tilespmem:$0x10400] =	vst v63  }
0xa6: {  	v3 =	vperm.xlane v3, v2  }
0xa7: {  	[tilespmem:s20], [sflag:$0x2] =	stream.indirect_vreg.gather [hbm4b:s5+s3], $0x80, v4, vm0, $0xb8;
	[tilespmem:$0x10400] =	vst v63  }
0xa8: {  	v3 =	vadd.s32 v1, v3  }
0xa9: {  	[tilespmem:s21], [sflag:$0x2] =	stream.indirect_vreg.gather [hbm4b:s7+s3], $0x80, v4, vm0, $0xb8;
	[tilespmem:$0x10400] =	vst v63  }
0xaa: {  	_ = 	snop  }
0xab: {  	[tilespmem:s22], [sflag:$0x2] =	stream.indirect_vreg.gather [hbm4b:s8+s3], $0x80, v4, vm0, $0xb8;
	[tilespmem:$0x10400] =	vst v63  }
0xac: {  	_ = 	snop  }
0xad: {  	[tilespmem:s23], [sflag:$0x2] =	stream.indirect_vreg.gather [hbm4b:s1+s3], $0x80, v3, vm0, $0xb8;
	[tilespmem:$0x10400] =	vst v63  }
0xae: {  	_ = 	snop  }
0xaf: {  	[tilespmem:s17], [sflag:$0x2] =	stream.indirect_vreg.gather [hbm4b:s5+s3], $0x80, v3, vm0, $0xb8;
	[tilespmem:$0x10400] =	vst v63  }
0xb0: {  	_ = 	snop  }
0xb1: {  	[tilespmem:s25], [sflag:$0x2] =	stream.indirect_vreg.gather [hbm4b:s7+s3], $0x80, v3, vm0, $0xb8;
	[tilespmem:$0x10400] =	vst v63  }
0xb2: {  	_ = 	snop  }
0xb3: {  	[tilespmem:s26], [sflag:$0x2] =	stream.indirect_vreg.gather [hbm4b:s8+s3], $0x80, v3, vm0, $0xb8;
	[tilespmem:$0x10400] =	vst v63  }
0xb4: {  	s17 =	rddreg [dreg:$0x8]  }
0xb5: {  	[hbm4b:s17+s3] =	stream.linear.scatter [tilespmem:s24], [sflag:$0x7], $0x4000, $0x38;
	[tilespmem:$0x10400] =	vst v63  }
0xb6: {  	_ =	swait.ge [sflag:s0], $0x4000  }
0xb7: {  	[sflag:s0] =	ssyncset.done $0x0  }
0xb8: {  	[sflag:s0] =	ssyncadd.s32 $0xFFFFC000  }
0xb9: {  	_ =	swait.ge [sflag:s2], $0x4000  }
0xba: {  	[sflag:s2] =	ssyncset.done $0x0  }
0xbb: {  	[sflag:s2] =	ssyncadd.s32 $0xFFFFC000  }
0xbc: {  	v3 =	vld [tilespmem:$0x60];
	_ =	sdelay $0x4  }
0xbd: {  	v63 =	vshll.u32 v3, $0x3  }
0xbe: {  	v3 =	vand.u32 $0x7, v3;
	v4 =	vand.u32 $0xFFFFFFC0, v63  }
0xbf: {  	v3 =	vor.u32 v3, v4  }
0xc0: {  	v4 =	vperm.xlane v3, v0;
	_ =	sdelay $0x1  }
0xc1: {  	v4 =	vadd.s32 v1, v4;
	_ =	sdelay $0x4  }
0xc2: {  	[tilespmem:s24], [sflag:$0x3] =	stream.indirect_vreg.gather [hbm4b:s1+s3], $0x80, v4, vm0, $0xb8;
	[tilespmem:$0x10400] =	vst v63  }
0xc3: {  	s18 =	simm.s32 $0x8C00;
	v3 =	vperm.xlane v3, v2  }
0xc4: {  	[tilespmem:s18], [sflag:$0x3] =	stream.indirect_vreg.gather [hbm4b:s5+s3], $0x80, v4, vm0, $0xb8;
	[tilespmem:$0x10400] =	vst v63  }
0xc5: {  	s19 =	simm.s32 $0x9400;
	v3 =	vadd.s32 v1, v3  }
0xc6: {  	[tilespmem:s19], [sflag:$0x3] =	stream.indirect_vreg.gather [hbm4b:s7+s3], $0x80, v4, vm0, $0xb8;
	[tilespmem:$0x10400] =	vst v63  }
0xc7: {  	s20 =	simm.s32 $0x9C00  }
0xc8: {  	[tilespmem:s20], [sflag:$0x3] =	stream.indirect_vreg.gather [hbm4b:s8+s3], $0x80, v4, vm0, $0xb8;
	[tilespmem:$0x10400] =	vst v63  }
0xc9: {  	s10 =	simm.s32 $0xA0;
	s21 =	simm.s32 $0xA400  }
0xca: {  	[tilespmem:s21], [sflag:$0x3] =	stream.indirect_vreg.gather [hbm4b:s1+s3], $0x80, v3, vm0, $0xb8;
	[tilespmem:$0x10400] =	vst v63  }
0xcb: {  	s11 =	simm.s32 $0x0;
	s14 =	simm.s32 $0x7C00;
	s22 =	simm.s32 $0xAC00  }
0xcc: {  	[tilespmem:s22], [sflag:$0x3] =	stream.indirect_vreg.gather [hbm4b:s5+s3], $0x80, v3, vm0, $0xb8;
	[tilespmem:$0x10400] =	vst v63  }
0xcd: {  	s15 =	simm.s32 $0x1400;
	s16 =	simm.s32 $0x1C00;
	s23 =	simm.s32 $0xB400  }
0xce: {  	[tilespmem:s23], [sflag:$0x3] =	stream.indirect_vreg.gather [hbm4b:s7+s3], $0x80, v3, vm0, $0xb8;
	[tilespmem:$0x10400] =	vst v63  }
0xcf: {  	s26 =	simm.s32 $0xC400;
	s25 =	rddreg [dreg:$0x9];
	s24 =	simm.s32 $0xBC00  }
0xd0: {  	[tilespmem:s24], [sflag:$0x3] =	stream.indirect_vreg.gather [hbm4b:s8+s3], $0x80, v3, vm0, $0xb8;
	[tilespmem:$0x10400] =	vst v63  }
0xd1: {  	s18 =	simm.s32 $0x6400;
	s20 =	simm.s32 $0x2C00;
	s21 =	simm.s32 $0x3400  }
0xd2: {  	[hbm4b:s25+s3] =	stream.linear.scatter [tilespmem:s26], [sflag:$0x8], $0x4000, $0x38;
	[tilespmem:$0x10400] =	vst v63  }
0xd3: {  	s23 =	simm.s32 $0x4C00;
	s24 =	simm.s32 $0x5400;
	s25 =	simm.s32 $0x7400  }
.LBB2_2:
0xd4: {  	_ =	swait.ge [sflag:s6], $0x4000  }
0xd5: {  	[sflag:s6] =	ssyncset.done $0x0  }
0xd6: {  	[sflag:s6] =	ssyncadd.s32 $0xFFFFC000  }
0xd7: {  	_ =	swait.ge [sflag:s4], $0x4000  }
0xd8: {  	[sflag:s4] =	ssyncset.done $0x0  }
0xd9: {  	[sflag:s4] =	ssyncadd.s32 $0xFFFFC000  }
0xda: {  	v3 =	vld [tilespmem:s10+$0xFFFFFFD0];
	_ =	sdelay $0x4  }
0xdb: {  	v4 =	vshll.u32 v3, $0x3  }
0xdc: {  	v3 =	vand.u32 $0x7, v3;
	v4 =	vand.u32 $0xFFFFFFC0, v4  }
0xdd: {  	v3 =	vor.u32 v3, v4  }
0xde: {  	v4 =	vperm.xlane v3, v0;
	_ =	sdelay $0x1  }
0xdf: {  	v4 =	vadd.s32 v1, v4;
	_ =	sdelay $0x3  }
0xe0: {  	s22 =	simm.s32 $0xC400  }
0xe1: {  	[tilespmem:s22], [sflag:$0x4] =	stream.indirect_vreg.gather [hbm4b:s1+s3], $0x80, v4, vm0, $0xb8;
	[tilespmem:$0x10400] =	vst v63  }
0xe2: {  	s9 =	simm.s32 $0xCC00;
	v3 =	vperm.xlane v3, v2  }
0xe3: {  	[tilespmem:s9], [sflag:$0x4] =	stream.indirect_vreg.gather [hbm4b:s5+s3], $0x80, v4, vm0, $0xb8;
	[tilespmem:$0x10400] =	vst v63  }
0xe4: {  	s17 =	simm.s32 $0xD400;
	v3 =	vadd.s32 v1, v3  }
0xe5: {  	[tilespmem:s17], [sflag:$0x4] =	stream.indirect_vreg.gather [hbm4b:s7+s3], $0x80, v4, vm0, $0xb8;
	[tilespmem:$0x10400] =	vst v63  }
0xe6: {  	s19 =	simm.s32 $0xDC00  }
0xe7: {  	[tilespmem:s19], [sflag:$0x4] =	stream.indirect_vreg.gather [hbm4b:s8+s3], $0x80, v4, vm0, $0xb8;
	[tilespmem:$0x10400] =	vst v63  }
0xe8: {  	s26 =	simm.s32 $0xE400  }
0xe9: {  	[tilespmem:s26], [sflag:$0x4] =	stream.indirect_vreg.gather [hbm4b:s1+s3], $0x80, v3, vm0, $0xb8;
	[tilespmem:$0x10400] =	vst v63  }
0xea: {  	s12 =	simm.s32 $0xEC00  }
0xeb: {  	[tilespmem:s12], [sflag:$0x4] =	stream.indirect_vreg.gather [hbm4b:s5+s3], $0x80, v3, vm0, $0xb8;
	[tilespmem:$0x10400] =	vst v63  }
0xec: {  	s13 =	simm.s32 $0xF400;
	s12 =	rddreg [dreg:$0x4]  }
0xed: {  	[tilespmem:s13], [sflag:$0x4] =	stream.indirect_vreg.gather [hbm4b:s7+s3], $0x80, v3, vm0, $0xb8;
	[tilespmem:$0x10400] =	vst v63  }
0xee: {  	s17 =	simm.s32 $0xFC00;
	s12 =	sadd.s32 s11, s12  }
0xef: {  	[tilespmem:s17], [sflag:$0x4] =	stream.indirect_vreg.gather [hbm4b:s8+s3], $0x80, v3, vm0, $0xb8;
	[tilespmem:$0x10400] =	vst v63  }
0xf0: {  	s19 =	simm.s32 $0x400;
	s13 =	sadd.s32 $0x2000, s12  }
0xf1: {  	[hbm4b:s13+s3] =	stream.linear.scatter [tilespmem:s19], [sflag:$0x5], $0x4000, $0x38;
	[tilespmem:$0x10400] =	vst v63  }
0xf2: {  	_ =	swait.ge [sflag:s28], $0x4000  }
0xf3: {  	[sflag:s28] =	ssyncset.done $0x0  }
0xf4: {  	[sflag:s28] =	ssyncadd.s32 $0xFFFFC000  }
0xf5: {  	_ =	swait.ge [sflag:s29], $0x4000  }
0xf6: {  	[sflag:s29] =	ssyncset.done $0x0  }
0xf7: {  	[sflag:s29] =	ssyncadd.s32 $0xFFFFC000  }
0xf8: {  	v3 =	vld [tilespmem:s10+$0xFFFFFFE0];
	_ =	sdelay $0x4  }
0xf9: {  	v61 =	vshll.u32 v3, $0x3  }
0xfa: {  	v3 =	vand.u32 $0x7, v3;
	v4 =	vand.u32 $0xFFFFFFC0, v61  }
0xfb: {  	v3 =	vor.u32 v3, v4  }
0xfc: {  	v4 =	vperm.xlane v3, v0;
	_ =	sdelay $0x1  }
0xfd: {  	v4 =	vadd.s32 v1, v4;
	_ =	sdelay $0x4  }
0xfe: {  	[tilespmem:s19], [sflag:$0x1] =	stream.indirect_vreg.gather [hbm4b:s1+s3], $0x80, v4, vm0, $0xb8;
	[tilespmem:$0x10400] =	vst v63  }
0xff: {  	s13 =	simm.s32 $0xC00;
	v3 =	vperm.xlane v3, v2  }
0x100: {  	[tilespmem:s13], [sflag:$0x1] =	stream.indirect_vreg.gather [hbm4b:s5+s3], $0x80, v4, vm0, $0xb8;
	[tilespmem:$0x10400] =	vst v63  }
0x101: {  	v3 =	vadd.s32 v1, v3  }
0x102: {  	[tilespmem:s15], [sflag:$0x1] =	stream.indirect_vreg.gather [hbm4b:s7+s3], $0x80, v4, vm0, $0xb8;
	[tilespmem:$0x10400] =	vst v63  }
0x103: {  	_ = 	snop  }
0x104: {  	[tilespmem:s16], [sflag:$0x1] =	stream.indirect_vreg.gather [hbm4b:s8+s3], $0x80, v4, vm0, $0xb8;
	[tilespmem:$0x10400] =	vst v63  }
0x105: {  	s17 =	simm.s32 $0x2400  }
0x106: {  	[tilespmem:s17], [sflag:$0x1] =	stream.indirect_vreg.gather [hbm4b:s1+s3], $0x80, v3, vm0, $0xb8;
	[tilespmem:$0x10400] =	vst v63  }
0x107: {  	_ = 	snop  }
0x108: {  	[tilespmem:s20], [sflag:$0x1] =	stream.indirect_vreg.gather [hbm4b:s5+s3], $0x80, v3, vm0, $0xb8;
	[tilespmem:$0x10400] =	vst v63  }
0x109: {  	_ = 	snop  }
0x10a: {  	[tilespmem:s21], [sflag:$0x1] =	stream.indirect_vreg.gather [hbm4b:s7+s3], $0x80, v3, vm0, $0xb8;
	[tilespmem:$0x10400] =	vst v63  }
0x10b: {  	s19 =	simm.s32 $0x3C00  }
0x10c: {  	[tilespmem:s19], [sflag:$0x1] =	stream.indirect_vreg.gather [hbm4b:s8+s3], $0x80, v3, vm0, $0xb8;
	[tilespmem:$0x10400] =	vst v63  }
0x10d: {  	s9 =	sadd.s32 $0x2800, s12;
	s17 =	simm.s32 $0x4400  }
0x10e: {  	[hbm4b:s9+s3] =	stream.linear.scatter [tilespmem:s17], [sflag:$0x6], $0x4000, $0x38;
	[tilespmem:$0x10400] =	vst v63  }
0x10f: {  	_ =	swait.ge [sflag:s30], $0x4000  }
0x110: {  	[sflag:s30] =	ssyncset.done $0x0  }
0x111: {  	[sflag:s30] =	ssyncadd.s32 $0xFFFFC000  }
0x112: {  	_ =	swait.ge [sflag:s31], $0x4000  }
0x113: {  	[sflag:s31] =	ssyncset.done $0x0  }
0x114: {  	[sflag:s31] =	ssyncadd.s32 $0xFFFFC000  }
0x115: {  	v3 =	vld [tilespmem:s10+$0xFFFFFFF0];
	_ =	sdelay $0x4  }
0x116: {  	v62 =	vshll.u32 v3, $0x3  }
0x117: {  	v3 =	vand.u32 $0x7, v3;
	v4 =	vand.u32 $0xFFFFFFC0, v62  }
0x118: {  	v3 =	vor.u32 v3, v4  }
0x119: {  	v4 =	vperm.xlane v3, v0;
	_ =	sdelay $0x1  }
0x11a: {  	v4 =	vadd.s32 v1, v4;
	_ =	sdelay $0x4  }
0x11b: {  	[tilespmem:s17], [sflag:$0x2] =	stream.indirect_vreg.gather [hbm4b:s1+s3], $0x80, v4, vm0, $0xb8;
	[tilespmem:$0x10400] =	vst v63  }
0x11c: {  	v3 =	vperm.xlane v3, v2  }
0x11d: {  	[tilespmem:s23], [sflag:$0x2] =	stream.indirect_vreg.gather [hbm4b:s5+s3], $0x80, v4, vm0, $0xb8;
	[tilespmem:$0x10400] =	vst v63  }
0x11e: {  	v3 =	vadd.s32 v1, v3  }
0x11f: {  	[tilespmem:s24], [sflag:$0x2] =	stream.indirect_vreg.gather [hbm4b:s7+s3], $0x80, v4, vm0, $0xb8;
	[tilespmem:$0x10400] =	vst v63  }
0x120: {  	s19 =	simm.s32 $0x5C00  }
0x121: {  	[tilespmem:s19], [sflag:$0x2] =	stream.indirect_vreg.gather [hbm4b:s8+s3], $0x80, v4, vm0, $0xb8;
	[tilespmem:$0x10400] =	vst v63  }
0x122: {  	_ = 	snop  }
0x123: {  	[tilespmem:s18], [sflag:$0x2] =	stream.indirect_vreg.gather [hbm4b:s1+s3], $0x80, v3, vm0, $0xb8;
	[tilespmem:$0x10400] =	vst v63  }
0x124: {  	s17 =	simm.s32 $0x6C00  }
0x125: {  	[tilespmem:s17], [sflag:$0x2] =	stream.indirect_vreg.gather [hbm4b:s5+s3], $0x80, v3, vm0, $0xb8;
	[tilespmem:$0x10400] =	vst v63  }
0x126: {  	_ = 	snop  }
0x127: {  	[tilespmem:s25], [sflag:$0x2] =	stream.indirect_vreg.gather [hbm4b:s7+s3], $0x80, v3, vm0, $0xb8;
	[tilespmem:$0x10400] =	vst v63  }
0x128: {  	_ = 	snop  }
0x129: {  	[tilespmem:s14], [sflag:$0x2] =	stream.indirect_vreg.gather [hbm4b:s8+s3], $0x80, v3, vm0, $0xb8;
	[tilespmem:$0x10400] =	vst v63  }
0x12a: {  	s13 =	sadd.s32 $0x3000, s12;
	s19 =	simm.s32 $0x8400  }
0x12b: {  	[hbm4b:s13+s3] =	stream.linear.scatter [tilespmem:s19], [sflag:$0x7], $0x4000, $0x38;
	[tilespmem:$0x10400] =	vst v63  }
0x12c: {  	_ =	swait.ge [sflag:s0], $0x4000  }
0x12d: {  	[sflag:s0] =	ssyncset.done $0x0  }
0x12e: {  	[sflag:s0] =	ssyncadd.s32 $0xFFFFC000  }
0x12f: {  	_ =	swait.ge [sflag:s2], $0x4000  }
0x130: {  	[sflag:s2] =	ssyncset.done $0x0  }
0x131: {  	[sflag:s2] =	ssyncadd.s32 $0xFFFFC000  }
0x132: {  	v3 =	vld [tilespmem:s10+$0x0];
	_ =	sdelay $0x4  }
0x133: {  	v63 =	vshll.u32 v3, $0x3  }
0x134: {  	v3 =	vand.u32 $0x7, v3;
	v4 =	vand.u32 $0xFFFFFFC0, v63  }
0x135: {  	v3 =	vor.u32 v3, v4  }
0x136: {  	v4 =	vperm.xlane v3, v0;
	_ =	sdelay $0x1  }
0x137: {  	v4 =	vadd.s32 v1, v4;
	_ =	sdelay $0x4  }
0x138: {  	[tilespmem:s19], [sflag:$0x3] =	stream.indirect_vreg.gather [hbm4b:s1+s3], $0x80, v4, vm0, $0xb8;
	[tilespmem:$0x10400] =	vst v63  }
0x139: {  	v3 =	vperm.xlane v3, v2;
	s19 =	simm.s32 $0x8C00  }
0x13a: {  	[tilespmem:s19], [sflag:$0x3] =	stream.indirect_vreg.gather [hbm4b:s5+s3], $0x80, v4, vm0, $0xb8;
	[tilespmem:$0x10400] =	vst v63  }
0x13b: {  	v3 =	vadd.s32 v1, v3;
	s19 =	simm.s32 $0x9400  }
0x13c: {  	[tilespmem:s19], [sflag:$0x3] =	stream.indirect_vreg.gather [hbm4b:s7+s3], $0x80, v4, vm0, $0xb8;
	[tilespmem:$0x10400] =	vst v63  }
0x13d: {  	s19 =	simm.s32 $0x9C00  }
0x13e: {  	[tilespmem:s19], [sflag:$0x3] =	stream.indirect_vreg.gather [hbm4b:s8+s3], $0x80, v4, vm0, $0xb8;
	[tilespmem:$0x10400] =	vst v63  }
0x13f: {  	s19 =	simm.s32 $0xA400  }
0x140: {  	[tilespmem:s19], [sflag:$0x3] =	stream.indirect_vreg.gather [hbm4b:s1+s3], $0x80, v3, vm0, $0xb8;
	[tilespmem:$0x10400] =	vst v63  }
0x141: {  	s19 =	simm.s32 $0xAC00  }
0x142: {  	[tilespmem:s19], [sflag:$0x3] =	stream.indirect_vreg.gather [hbm4b:s5+s3], $0x80, v3, vm0, $0xb8;
	[tilespmem:$0x10400] =	vst v63  }
0x143: {  	p0 =	sne.s32 s11, $0x1A000;
	s19 =	simm.s32 $0xB400  }
0x144: {  	[tilespmem:s19], [sflag:$0x3] =	stream.indirect_vreg.gather [hbm4b:s7+s3], $0x80, v3, vm0, $0xb8;
	[tilespmem:$0x10400] =	vst v63  }
.Ltmp0:
0x145: {  	s26 =	simm.s32 $0x400;
	(pc) =	sbr.rel @p0 .LBB2_2-.Ltmp0, $4  }
0x146: {  	s11 =	sadd.s32 $0x2000, s11;
	s12 =	sadd.s32 $0x3800, s12;
	s19 =	simm.s32 $0xBC00  }
0x147: {  	[tilespmem:s19], [sflag:$0x3] =	stream.indirect_vreg.gather [hbm4b:s8+s3], $0x80, v3, vm0, $0xb8;
	[tilespmem:$0x10400] =	vst v63  }
0x148: {  	s9 =	simm.s32 $0x4400;
	s13 =	simm.s32 $0x8400;
	s10 =	sadd.s32 $0x40, s10  }
0x149: {  	[hbm4b:s12+s3] =	stream.linear.scatter [tilespmem:s22], [sflag:$0x8], $0x4000, $0x38;
	[tilespmem:$0x10400] =	vst v63  }
0x14a: {  	_ =	swait.ge [sflag:s6], $0x4000  }
0x14b: {  	[sflag:s6] =	ssyncset.done $0x0  }
0x14c: {  	[sflag:s6] =	ssyncadd.s32 $0xFFFFC000  }
0x14d: {  	_ =	swait.ge [sflag:s4], $0x4000  }
0x14e: {  	[sflag:s4] =	ssyncset.done $0x0  }
0x14f: {  	[sflag:s4] =	ssyncadd.s32 $0xFFFFC000  }
0x150: {  	v3 =	vld [tilespmem:$0x3F0];
	_ =	sdelay $0x4  }
0x151: {  	v4 =	vshll.u32 v3, $0x3  }
0x152: {  	v3 =	vand.u32 $0x7, v3;
	v4 =	vand.u32 $0xFFFFFFC0, v4  }
0x153: {  	v3 =	vor.u32 v3, v4  }
0x154: {  	v4 =	vperm.xlane v3, v0;
	_ =	sdelay $0x1  }
0x155: {  	v4 =	vadd.s32 v1, v4;
	_ =	sdelay $0x3  }
0x156: {  	s11 =	simm.s32 $0xC400  }
0x157: {  	[tilespmem:s11], [sflag:$0x4] =	stream.indirect_vreg.gather [hbm4b:s1+s3], $0x80, v4, vm0, $0xb8;
	[tilespmem:$0x10400] =	vst v63  }
0x158: {  	s10 =	simm.s32 $0xCC00;
	v3 =	vperm.xlane v3, v2  }
0x159: {  	[tilespmem:s10], [sflag:$0x4] =	stream.indirect_vreg.gather [hbm4b:s5+s3], $0x80, v4, vm0, $0xb8;
	[tilespmem:$0x10400] =	vst v63  }
0x15a: {  	s14 =	simm.s32 $0xD400;
	v3 =	vadd.s32 v1, v3  }
0x15b: {  	[tilespmem:s14], [sflag:$0x4] =	stream.indirect_vreg.gather [hbm4b:s7+s3], $0x80, v4, vm0, $0xb8;
	[tilespmem:$0x10400] =	vst v63  }
0x15c: {  	s15 =	simm.s32 $0xDC00  }
0x15d: {  	[tilespmem:s15], [sflag:$0x4] =	stream.indirect_vreg.gather [hbm4b:s8+s3], $0x80, v4, vm0, $0xb8;
	[tilespmem:$0x10400] =	vst v63  }
0x15e: {  	s16 =	simm.s32 $0xE400  }
0x15f: {  	[tilespmem:s16], [sflag:$0x4] =	stream.indirect_vreg.gather [hbm4b:s1+s3], $0x80, v3, vm0, $0xb8;
	[tilespmem:$0x10400] =	vst v63  }
0x160: {  	s18 =	simm.s32 $0xEC00  }
0x161: {  	[tilespmem:s18], [sflag:$0x4] =	stream.indirect_vreg.gather [hbm4b:s5+s3], $0x80, v3, vm0, $0xb8;
	[tilespmem:$0x10400] =	vst v63  }
0x162: {  	s19 =	simm.s32 $0xF400  }
0x163: {  	[tilespmem:s19], [sflag:$0x4] =	stream.indirect_vreg.gather [hbm4b:s7+s3], $0x80, v3, vm0, $0xb8;
	[tilespmem:$0x10400] =	vst v63  }
0x164: {  	s20 =	simm.s32 $0xFC00  }
0x165: {  	[tilespmem:s20], [sflag:$0x4] =	stream.indirect_vreg.gather [hbm4b:s8+s3], $0x80, v3, vm0, $0xb8;
	[tilespmem:$0x10400] =	vst v63  }
0x166: {  	s21 =	rddreg [dreg:$0xa]  }
0x167: {  	[hbm4b:s21+s3] =	stream.linear.scatter [tilespmem:s26], [sflag:$0x5], $0x4000, $0x38;
	[tilespmem:$0x10400] =	vst v63  }
0x168: {  	_ =	swait.ge [sflag:s28], $0x4000  }
0x169: {  	[sflag:s28] =	ssyncset.done $0x0  }
0x16a: {  	[sflag:s28] =	ssyncadd.s32 $0xFFFFC000  }
0x16b: {  	_ =	swait.ge [sflag:s29], $0x4000  }
0x16c: {  	[sflag:s29] =	ssyncset.done $0x0  }
0x16d: {  	s22 =	rddreg [dreg:$0xb];
	[sflag:s29] =	ssyncadd.s32 $0xFFFFC000  }
0x16e: {  	[hbm4b:s22+s3] =	stream.linear.scatter [tilespmem:s9], [sflag:$0x6], $0x4000, $0x38;
	[tilespmem:$0x10400] =	vst v63  }
0x16f: {  	_ =	swait.ge [sflag:s30], $0x4000  }
0x170: {  	[sflag:s30] =	ssyncset.done $0x0  }
0x171: {  	[sflag:s30] =	ssyncadd.s32 $0xFFFFC000  }
0x172: {  	_ =	swait.ge [sflag:s31], $0x4000  }
0x173: {  	[sflag:s31] =	ssyncset.done $0x0  }
0x174: {  	s23 =	rddreg [dreg:$0xc];
	[sflag:s31] =	ssyncadd.s32 $0xFFFFC000  }
0x175: {  	[hbm4b:s23+s3] =	stream.linear.scatter [tilespmem:s13], [sflag:$0x7], $0x4000, $0x38;
	[tilespmem:$0x10400] =	vst v63  }
0x176: {  	_ =	swait.ge [sflag:s0], $0x4000  }
0x177: {  	[sflag:s0] =	ssyncset.done $0x0  }
0x178: {  	[sflag:s0] =	ssyncadd.s32 $0xFFFFC000  }
0x179: {  	_ =	swait.ge [sflag:s2], $0x4000  }
0x17a: {  	[sflag:s2] =	ssyncset.done $0x0  }
0x17b: {  	s24 =	rddreg [dreg:$0xd];
	[sflag:s2] =	ssyncadd.s32 $0xFFFFC000  }
0x17c: {  	[hbm4b:s24+s3] =	stream.linear.scatter [tilespmem:s11], [sflag:$0x8], $0x4000, $0x38;
	[tilespmem:$0x10400] =	vst v63  }
0x17d: {  	_ =	swait.ge [sflag:s4], $0x4000  }
0x17e: {  	s25 =	rddreg [dreg:$0xf]  }
0x17f: {  	s26 =	rddreg [dreg:$0xe];
	s9 =	sadd.s32 $0x1, s25  }
0x180: {  	s12 =	simm.s32 $0x1400;
	p0 =	sne.s32 s9, s26  }
.Ltmp1:
0x181: {  	s14 =	simm.s32 $0x2400;
	s15 =	simm.s32 $0x2C00;
	(pc) =	sbr.rel @p0 .LBB2_1-.Ltmp1, $4  }
0x182: {  	s16 =	simm.s32 $0x3400;
	s19 =	simm.s32 $0x3C00;
	s20 =	simm.s32 $0x4C00  }
0x183: {  	s21 =	simm.s32 $0x5400;
	s22 =	simm.s32 $0x5C00;
	s13 =	simm.s32 $0x1C00  }
0x184: {  	s23 =	simm.s32 $0x6400;
	s11 =	simm.s32 $0xC00;
	[sflag:s4] =	ssyncset.done $0x0  }
0x185: {  	[sflag:s4] =	ssyncadd.s32 $0xFFFFC000;
	s25 =	simm.s32 $0x7400;
	s26 =	simm.s32 $0x7C00  }
0x186: {  	_ =	sfence.sel $0x180000  }
0x187: {  	[bflag:$0x0] =	sbarrier.arrive $0xFFFF  }
0x188: {  	_ =	strace $0x90000047  }
0x189: {  	s0 =	stileid.u32;
	[bflag:$0x2] =	sbarrier.arrive $0xFFFF  }
0x18a: {  	p0 =	sne.s32 s0, $0x0;
	s0 =	rddreg [dreg:$0x3]  }
0x18b: {  	s0 =	sadd.s32 @!p0 $0x100000, s0  }
0x18c: {  	[sflag:s0] =	ssyncadd.tile.s32 @!p0 $0x1;
	_ =	shalt  }
.Lfunc_end2:
_tile_overlayer_lowered:
.L_overlay_start_2:
0x18d: {  	(tag) =	ssettag $0x2  }
0x18e: {  	s0 =	rddreg [dreg:$0x0];
	s2 =	stileid.u32  }
0x18f: {  	s1 =	rddreg [dreg:$0x1];
	p0 =	sne.s32 s2, $0x0  }
0x190: {  	s3 =	rddreg [dreg:$0x2];
	[bflag:$0x3] =	sbarrier.arrive $0xFFFF;
	s2 =	simm.s32 @!p0 $0x1C09  }
0x191: {  	[timem:s3], [sflag:s2] =	dma.local @!p0 [hbm:s0], s1  }
0x192: {  	s0 =	simm.s32 @!p0 $0x9  }
0x193: {  	_ =	swait.ge @!p0 [sflag:s0], s1  }
0x194: {  	s1 =	ssub.s32 @!p0 $0x0, s1;
	[sflag:s0] =	ssyncset.done @!p0 $0x0  }
0x195: {  	[sflag:s0] =	ssyncadd.s32 @!p0 s1  }
0x196: {  	[bflag:$0x3] =	sbarrier.arrive $0xFFFF  }
0x197: {  	_ =	shalt  }

</sc_bundles>
